<compile_context>
chip_gen: v7x
topology: tpu7x:2x2x1
jax: 0.10.2.dev20260603
libtpu: 0.0.44.dev20260713+nightly
codegen_flags: <defaults>
</compile_context>

<pallas_src>
import functools

import jax
import jax.numpy as jnp
from jax import lax
from jax.experimental import pallas as pl
from jax.experimental.pallas import tpu as pltpu
from jax.experimental.pallas import tpu_sc as plsc

HIDDEN = 32
NC = 2
NS = 16
NW = NC * NS
B = 16384 * 26
B_PER_W = B // NW
CHUNK = 416
N_CHUNKS = B_PER_W // CHUNK
NBUF = 8
LOOKAHEAD = 6

_mesh = plsc.VectorSubcoreMesh(core_axis_name="c", subcore_axis_name="s")


@functools.partial(
    pl.kernel,
    mesh=_mesh,
    out_type=jax.ShapeDtypeStruct((B, HIDDEN), jnp.float32),
    scratch_types=[
        pltpu.VMEM((B_PER_W,), jnp.int32),
        [pltpu.VMEM((CHUNK, HIDDEN), jnp.float32) for _ in range(NBUF)],
        [pltpu.SemaphoreType.DMA for _ in range(NBUF)],
        [pltpu.SemaphoreType.DMA for _ in range(NBUF)],
    ],
    compiler_params=pltpu.CompilerParams(use_tc_tiling_on_sc=False),
)
def _gather_all(idx_hbm, w_hbm, out_hbm, idx_v, rows, gsem, ssem):
    wid = lax.axis_index("s") * NC + lax.axis_index("c")
    base = wid * B_PER_W

    pltpu.sync_copy(idx_hbm.at[pl.ds(base, B_PER_W)], idx_v)

    def start_gather(c):
        b = c % NBUF
        return pltpu.async_copy(
            w_hbm.at[idx_v.at[pl.ds(c * CHUNK, CHUNK)]], rows[b], gsem[b])

    gathers = [None] * N_CHUNKS
    stores = [None] * N_CHUNKS
    for c in range(LOOKAHEAD):
        gathers[c] = start_gather(c)
    for c in range(N_CHUNKS):
        b = c % NBUF
        nxt = c + LOOKAHEAD
        if nxt < N_CHUNKS:
            if nxt >= NBUF:
                stores[nxt - NBUF].wait()
            gathers[nxt] = start_gather(nxt)
        gathers[c].wait()
        stores[c] = pltpu.async_copy(
            rows[b], out_hbm.at[pl.ds(base + c * CHUNK, CHUNK)], ssem[b])
    for c in range(max(0, N_CHUNKS - NBUF), N_CHUNKS):
        if stores[c] is not None:
            stores[c].wait()


@jax.jit
def kernel(x, weight):
    flat = x.reshape(-1).astype(jnp.int32)
    out = _gather_all(flat, weight)
    return out.reshape(x.shape + (weight.shape[1],))

# --- scband reference (transcript-rebuilt; emitter-appended) ---
"""Pipeline reference for scband-evaluation-layer-13589276525127 (READ-ONLY COPY).

The authoritative reference and input builder live on the scoring server;
editing this copy changes nothing except your own understanding.
"""

import jax, jax.numpy as jnp
import numpy as np

EXPANDED_DIM = 1000000
HIDDEN_DIM = 32

def setup_inputs(seed: int = 0) -> dict:
    key = jax.random.key(seed)
    k1, k2 = jax.random.split(key)
    x = jax.random.randint(k1, (16384, 26), 0, EXPANDED_DIM, dtype=jnp.int64 if jax.config.jax_enable_x64 else jnp.int32)
    # Module initializes weight to zeros (ablation_random_init=False)
    weight = jnp.zeros((EXPANDED_DIM, HIDDEN_DIM), dtype=jnp.float32)
    return {"x": x, "weight": weight}

def reference(x, weight):
    # out = weight.index_select(0, x.reshape(-1)); out.reshape(x.shape + (-1,))
    flat = x.reshape(-1)
    out = jnp.take(weight, flat, axis=0)
    return out.reshape(x.shape + (weight.shape[1],))

if __name__ == "__main__":
    import jax
    _d = setup_inputs()
    print(jax.jit(kernel)(*tuple(_d.values())))

</pallas_src>

<mosaic_0001>
#map = affine_map<(d0, d1) -> (0)>
#map1 = affine_map<(d0, d1) -> (0, 0)>
module attributes {stable_mosaic.version = 14 : i64} {
  func.func @_gather_all(%arg0: i32, %arg1: i32, %arg2: memref<425984xi32, #tpu.memory_space<hbm>>, %arg3: memref<1000000x32xf32, #tpu.memory_space<hbm>>, %arg4: memref<425984x32xf32, #tpu.memory_space<hbm>>, %arg5: memref<13312xi32, #tpu.memory_space<vmem>>, %arg6: memref<416x32xf32, #tpu.memory_space<vmem>>, %arg7: memref<416x32xf32, #tpu.memory_space<vmem>>, %arg8: memref<416x32xf32, #tpu.memory_space<vmem>>, %arg9: memref<416x32xf32, #tpu.memory_space<vmem>>, %arg10: memref<416x32xf32, #tpu.memory_space<vmem>>, %arg11: memref<416x32xf32, #tpu.memory_space<vmem>>, %arg12: memref<416x32xf32, #tpu.memory_space<vmem>>, %arg13: memref<416x32xf32, #tpu.memory_space<vmem>>, %arg14: memref<!tpu.dma_semaphore, #tpu.memory_space<semaphore_mem>>, %arg15: memref<!tpu.dma_semaphore, #tpu.memory_space<semaphore_mem>>, %arg16: memref<!tpu.dma_semaphore, #tpu.memory_space<semaphore_mem>>, %arg17: memref<!tpu.dma_semaphore, #tpu.memory_space<semaphore_mem>>, %arg18: memref<!tpu.dma_semaphore, #tpu.memory_space<semaphore_mem>>, %arg19: memref<!tpu.dma_semaphore, #tpu.memory_space<semaphore_mem>>, %arg20: memref<!tpu.dma_semaphore, #tpu.memory_space<semaphore_mem>>, %arg21: memref<!tpu.dma_semaphore, #tpu.memory_space<semaphore_mem>>, %arg22: memref<!tpu.dma_semaphore, #tpu.memory_space<semaphore_mem>>, %arg23: memref<!tpu.dma_semaphore, #tpu.memory_space<semaphore_mem>>, %arg24: memref<!tpu.dma_semaphore, #tpu.memory_space<semaphore_mem>>, %arg25: memref<!tpu.dma_semaphore, #tpu.memory_space<semaphore_mem>>, %arg26: memref<!tpu.dma_semaphore, #tpu.memory_space<semaphore_mem>>, %arg27: memref<!tpu.dma_semaphore, #tpu.memory_space<semaphore_mem>>, %arg28: memref<!tpu.dma_semaphore, #tpu.memory_space<semaphore_mem>>, %arg29: memref<!tpu.dma_semaphore, #tpu.memory_space<semaphore_mem>>) attributes {dimension_semantics = [#tpu.dimension_semantics<core_parallel>, #tpu.dimension_semantics<subcore_parallel>], iteration_bounds = array<i64: 2, 16>, scalar_prefetch = 0 : i64, scratch_operands = 25 : i64, tpu.core_type = #tpu.core_type<sc_vector_subcore>, window_params = [{transform_indices = #map}, {transform_indices = #map1}, {transform_indices = #map1}]} {
    %mul3A = arith.constant 2 : i32
    %mul3A_0 = arith.muli %arg1, %mul3A : i32
    %add3A = arith.addi %mul3A_0, %arg0 : i32
    %mul3A_1 = arith.constant 13312 : i32
    %mul3A_2 = arith.muli %add3A, %mul3A_1 : i32
    "tpu.region"() ({
      %run_scoped3A = tpu.sem_alloc : memref<!tpu.dma_semaphore, #tpu.memory_space<semaphore_mem>>
      %dma_start3A_641 = tpu.memref_slice %arg2[%mul3A_2] : memref<425984xi32, #tpu.memory_space<hbm>> -> memref<13312xi32, #tpu.memory_space<hbm>>
      %dma_start3A_642 = tpu.memref_slice %arg2[%mul3A_2] : memref<425984xi32, #tpu.memory_space<hbm>> -> memref<13312xi32, #tpu.memory_space<hbm>>
      tpu.enqueue_dma source(%dma_start3A_642 : memref<13312xi32, #tpu.memory_space<hbm>>) target(%arg5 : memref<13312xi32, #tpu.memory_space<vmem>>) target_semaphore(%run_scoped3A : memref<!tpu.dma_semaphore, #tpu.memory_space<semaphore_mem>>)
      %dma_wait3A_643 = tpu.memref_slice %arg2[%mul3A_2] : memref<425984xi32, #tpu.memory_space<hbm>> -> memref<13312xi32, #tpu.memory_space<hbm>>
      %dma_wait3A_644 = tpu.memref_slice %arg2[%mul3A_2] : memref<425984xi32, #tpu.memory_space<hbm>> -> memref<13312xi32, #tpu.memory_space<hbm>>
      tpu.wait_dma2 semaphore(%run_scoped3A : memref<!tpu.dma_semaphore, #tpu.memory_space<semaphore_mem>>) src(%dma_wait3A_644 : memref<13312xi32, #tpu.memory_space<hbm>>) dst(%arg5 : memref<13312xi32, #tpu.memory_space<vmem>>)
      tpu.yield
    }) : () -> ()
    %dma_start3A = arith.constant 0 : i32
    %dma_start3A_3 = tpu.memref_slice %arg5[%dma_start3A] : memref<13312xi32, #tpu.memory_space<vmem>> -> memref<416xi32, #tpu.memory_space<vmem>>
    %dma_start3A_4 = arith.constant 0 : i32
    %dma_start3A_5 = arith.constant 0 : i32
    %dma_start3A_6 = tpu.memref_slice %arg3[%dma_start3A_4, %dma_start3A_5] : memref<1000000x32xf32, #tpu.memory_space<hbm>> -> memref<1000000x32xf32, #tpu.memory_space<hbm>>
    tpu.enqueue_indirect_dma source(%dma_start3A_6 : memref<1000000x32xf32, #tpu.memory_space<hbm>>) target(%arg6 : memref<416x32xf32, #tpu.memory_space<vmem>>) offsets(%dma_start3A_3 : memref<416xi32, #tpu.memory_space<vmem>>) semaphore(%arg14 : memref<!tpu.dma_semaphore, #tpu.memory_space<semaphore_mem>>)
    %dma_start3A_7 = arith.constant 416 : i32
    %dma_start3A_8 = tpu.memref_slice %arg5[%dma_start3A_7] : memref<13312xi32, #tpu.memory_space<vmem>> -> memref<416xi32, #tpu.memory_space<vmem>>
    %dma_start3A_9 = arith.constant 0 : i32
    %dma_start3A_10 = arith.constant 0 : i32
    %dma_start3A_11 = tpu.memref_slice %arg3[%dma_start3A_9, %dma_start3A_10] : memref<1000000x32xf32, #tpu.memory_space<hbm>> -> memref<1000000x32xf32, #tpu.memory_space<hbm>>
    tpu.enqueue_indirect_dma source(%dma_start3A_11 : memref<1000000x32xf32, #tpu.memory_space<hbm>>) target(%arg7 : memref<416x32xf32, #tpu.memory_space<vmem>>) offsets(%dma_start3A_8 : memref<416xi32, #tpu.memory_space<vmem>>) semaphore(%arg15 : memref<!tpu.dma_semaphore, #tpu.memory_space<semaphore_mem>>)
    %dma_start3A_12 = arith.constant 832 : i32
    %dma_start3A_13 = tpu.memref_slice %arg5[%dma_start3A_12] : memref<13312xi32, #tpu.memory_space<vmem>> -> memref<416xi32, #tpu.memory_space<vmem>>
    %dma_start3A_14 = arith.constant 0 : i32
    %dma_start3A_15 = arith.constant 0 : i32
    %dma_start3A_16 = tpu.memref_slice %arg3[%dma_start3A_14, %dma_start3A_15] : memref<1000000x32xf32, #tpu.memory_space<hbm>> -> memref<1000000x32xf32, #tpu.memory_space<hbm>>
    tpu.enqueue_indirect_dma source(%dma_start3A_16 : memref<1000000x32xf32, #tpu.memory_space<hbm>>) target(%arg8 : memref<416x32xf32, #tpu.memory_space<vmem>>) offsets(%dma_start3A_13 : memref<416xi32, #tpu.memory_space<vmem>>) semaphore(%arg16 : memref<!tpu.dma_semaphore, #tpu.memory_space<semaphore_mem>>)
    %dma_start3A_17 = arith.constant 1248 : i32
    %dma_start3A_18 = tpu.memref_slice %arg5[%dma_start3A_17] : memref<13312xi32, #tpu.memory_space<vmem>> -> memref<416xi32, #tpu.memory_space<vmem>>
    %dma_start3A_19 = arith.constant 0 : i32
    %dma_start3A_20 = arith.constant 0 : i32
    %dma_start3A_21 = tpu.memref_slice %arg3[%dma_start3A_19, %dma_start3A_20] : memref<1000000x32xf32, #tpu.memory_space<hbm>> -> memref<1000000x32xf32, #tpu.memory_space<hbm>>
    tpu.enqueue_indirect_dma source(%dma_start3A_21 : memref<1000000x32xf32, #tpu.memory_space<hbm>>) target(%arg9 : memref<416x32xf32, #tpu.memory_space<vmem>>) offsets(%dma_start3A_18 : memref<416xi32, #tpu.memory_space<vmem>>) semaphore(%arg17 : memref<!tpu.dma_semaphore, #tpu.memory_space<semaphore_mem>>)
    %dma_start3A_22 = arith.constant 1664 : i32
    %dma_start3A_23 = tpu.memref_slice %arg5[%dma_start3A_22] : memref<13312xi32, #tpu.memory_space<vmem>> -> memref<416xi32, #tpu.memory_space<vmem>>
    %dma_start3A_24 = arith.constant 0 : i32
    %dma_start3A_25 = arith.constant 0 : i32
    %dma_start3A_26 = tpu.memref_slice %arg3[%dma_start3A_24, %dma_start3A_25] : memref<1000000x32xf32, #tpu.memory_space<hbm>> -> memref<1000000x32xf32, #tpu.memory_space<hbm>>
    tpu.enqueue_indirect_dma source(%dma_start3A_26 : memref<1000000x32xf32, #tpu.memory_space<hbm>>) target(%arg10 : memref<416x32xf32, #tpu.memory_space<vmem>>) offsets(%dma_start3A_23 : memref<416xi32, #tpu.memory_space<vmem>>) semaphore(%arg18 : memref<!tpu.dma_semaphore, #tpu.memory_space<semaphore_mem>>)
    %dma_start3A_27 = arith.constant 2080 : i32
    %dma_start3A_28 = tpu.memref_slice %arg5[%dma_start3A_27] : memref<13312xi32, #tpu.memory_space<vmem>> -> memref<416xi32, #tpu.memory_space<vmem>>
    %dma_start3A_29 = arith.constant 0 : i32
    %dma_start3A_30 = arith.constant 0 : i32
    %dma_start3A_31 = tpu.memref_slice %arg3[%dma_start3A_29, %dma_start3A_30] : memref<1000000x32xf32, #tpu.memory_space<hbm>> -> memref<1000000x32xf32, #tpu.memory_space<hbm>>
    tpu.enqueue_indirect_dma source(%dma_start3A_31 : memref<1000000x32xf32, #tpu.memory_space<hbm>>) target(%arg11 : memref<416x32xf32, #tpu.memory_space<vmem>>) offsets(%dma_start3A_28 : memref<416xi32, #tpu.memory_space<vmem>>) semaphore(%arg19 : memref<!tpu.dma_semaphore, #tpu.memory_space<semaphore_mem>>)
    %dma_start3A_32 = arith.constant 2496 : i32
    %dma_start3A_33 = tpu.memref_slice %arg5[%dma_start3A_32] : memref<13312xi32, #tpu.memory_space<vmem>> -> memref<416xi32, #tpu.memory_space<vmem>>
    %dma_start3A_34 = arith.constant 0 : i32
    %dma_start3A_35 = arith.constant 0 : i32
    %dma_start3A_36 = tpu.memref_slice %arg3[%dma_start3A_34, %dma_start3A_35] : memref<1000000x32xf32, #tpu.memory_space<hbm>> -> memref<1000000x32xf32, #tpu.memory_space<hbm>>
    tpu.enqueue_indirect_dma source(%dma_start3A_36 : memref<1000000x32xf32, #tpu.memory_space<hbm>>) target(%arg12 : memref<416x32xf32, #tpu.memory_space<vmem>>) offsets(%dma_start3A_33 : memref<416xi32, #tpu.memory_space<vmem>>) semaphore(%arg20 : memref<!tpu.dma_semaphore, #tpu.memory_space<semaphore_mem>>)
    %dma_wait3A = arith.constant 0 : i32
    %dma_wait3A_37 = tpu.memref_slice %arg5[%dma_wait3A] : memref<13312xi32, #tpu.memory_space<vmem>> -> memref<416xi32, #tpu.memory_space<vmem>>
    %dma_wait3A_38 = arith.constant 0 : i32
    %dma_wait3A_39 = arith.constant 0 : i32
    %dma_wait3A_40 = tpu.memref_slice %arg3[%dma_wait3A_38, %dma_wait3A_39] : memref<1000000x32xf32, #tpu.memory_space<hbm>> -> memref<1000000x32xf32, #tpu.memory_space<hbm>>
    tpu.wait_indirect_dma semaphore(%arg14 : memref<!tpu.dma_semaphore, #tpu.memory_space<semaphore_mem>>) src(%dma_wait3A_40 : memref<1000000x32xf32, #tpu.memory_space<hbm>>) dst(%arg6 : memref<416x32xf32, #tpu.memory_space<vmem>>)
    %add3A_41 = arith.constant 0 : i32
    %add3A_42 = arith.addi %mul3A_2, %add3A_41 : i32
    %dma_start3A_43 = arith.constant 0 : i32
    %dma_start3A_44 = tpu.memref_slice %arg4[%add3A_42, %dma_start3A_43] : memref<425984x32xf32, #tpu.memory_space<hbm>> -> memref<416x32xf32, #tpu.memory_space<hbm>>
    %dma_start3A_45 = arith.constant 0 : i32
    %dma_start3A_46 = tpu.memref_slice %arg4[%add3A_42, %dma_start3A_45] : memref<425984x32xf32, #tpu.memory_space<hbm>> -> memref<416x32xf32, #tpu.memory_space<hbm>>
    tpu.enqueue_dma source(%arg6 : memref<416x32xf32, #tpu.memory_space<vmem>>) target(%dma_start3A_46 : memref<416x32xf32, #tpu.memory_space<hbm>>) target_semaphore(%arg22 : memref<!tpu.dma_semaphore, #tpu.memory_space<semaphore_mem>>)
    %dma_start3A_47 = arith.constant 2912 : i32
    %dma_start3A_48 = tpu.memref_slice %arg5[%dma_start3A_47] : memref<13312xi32, #tpu.memory_space<vmem>> -> memref<416xi32, #tpu.memory_space<vmem>>
    %dma_start3A_49 = arith.constant 0 : i32
    %dma_start3A_50 = arith.constant 0 : i32
    %dma_start3A_51 = tpu.memref_slice %arg3[%dma_start3A_49, %dma_start3A_50] : memref<1000000x32xf32, #tpu.memory_space<hbm>> -> memref<1000000x32xf32, #tpu.memory_space<hbm>>
    tpu.enqueue_indirect_dma source(%dma_start3A_51 : memref<1000000x32xf32, #tpu.memory_space<hbm>>) target(%arg13 : memref<416x32xf32, #tpu.memory_space<vmem>>) offsets(%dma_start3A_48 : memref<416xi32, #tpu.memory_space<vmem>>) semaphore(%arg21 : memref<!tpu.dma_semaphore, #tpu.memory_space<semaphore_mem>>)
    %dma_wait3A_52 = arith.constant 416 : i32
    %dma_wait3A_53 = tpu.memref_slice %arg5[%dma_wait3A_52] : memref<13312xi32, #tpu.memory_space<vmem>> -> memref<416xi32, #tpu.memory_space<vmem>>
    %dma_wait3A_54 = arith.constant 0 : i32
    %dma_wait3A_55 = arith.constant 0 : i32
    %dma_wait3A_56 = tpu.memref_slice %arg3[%dma_wait3A_54, %dma_wait3A_55] : memref<1000000x32xf32, #tpu.memory_space<hbm>> -> memref<1000000x32xf32, #tpu.memory_space<hbm>>
    tpu.wait_indirect_dma semaphore(%arg15 : memref<!tpu.dma_semaphore, #tpu.memory_space<semaphore_mem>>) src(%dma_wait3A_56 : memref<1000000x32xf32, #tpu.memory_space<hbm>>) dst(%arg7 : memref<416x32xf32, #tpu.memory_space<vmem>>)
    %add3A_57 = arith.constant 416 : i32
    %add3A_58 = arith.addi %mul3A_2, %add3A_57 : i32
    %dma_start3A_59 = arith.constant 0 : i32
    %dma_start3A_60 = tpu.memref_slice %arg4[%add3A_58, %dma_start3A_59] : memref<425984x32xf32, #tpu.memory_space<hbm>> -> memref<416x32xf32, #tpu.memory_space<hbm>>
    %dma_start3A_61 = arith.constant 0 : i32
    %dma_start3A_62 = tpu.memref_slice %arg4[%add3A_58, %dma_start3A_61] : memref<425984x32xf32, #tpu.memory_space<hbm>> -> memref<416x32xf32, #tpu.memory_space<hbm>>
    tpu.enqueue_dma source(%arg7 : memref<416x32xf32, #tpu.memory_space<vmem>>) target(%dma_start3A_62 : memref<416x32xf32, #tpu.memory_space<hbm>>) target_semaphore(%arg23 : memref<!tpu.dma_semaphore, #tpu.memory_space<semaphore_mem>>)
    %dma_wait3A_63 = arith.constant 0 : i32
    %dma_wait3A_64 = tpu.memref_slice %arg4[%add3A_42, %dma_wait3A_63] : memref<425984x32xf32, #tpu.memory_space<hbm>> -> memref<416x32xf32, #tpu.memory_space<hbm>>
    %dma_wait3A_65 = arith.constant 0 : i32
    %dma_wait3A_66 = tpu.memref_slice %arg4[%add3A_42, %dma_wait3A_65] : memref<425984x32xf32, #tpu.memory_space<hbm>> -> memref<416x32xf32, #tpu.memory_space<hbm>>
    tpu.wait_dma2 semaphore(%arg22 : memref<!tpu.dma_semaphore, #tpu.memory_space<semaphore_mem>>) src(%arg6 : memref<416x32xf32, #tpu.memory_space<vmem>>) dst(%dma_wait3A_66 : memref<416x32xf32, #tpu.memory_space<hbm>>)
    %dma_start3A_67 = arith.constant 3328 : i32
    %dma_start3A_68 = tpu.memref_slice %arg5[%dma_start3A_67] : memref<13312xi32, #tpu.memory_space<vmem>> -> memref<416xi32, #tpu.memory_space<vmem>>
    %dma_start3A_69 = arith.constant 0 : i32
    %dma_start3A_70 = arith.constant 0 : i32
    %dma_start3A_71 = tpu.memref_slice %arg3[%dma_start3A_69, %dma_start3A_70] : memref<1000000x32xf32, #tpu.memory_space<hbm>> -> memref<1000000x32xf32, #tpu.memory_space<hbm>>
    tpu.enqueue_indirect_dma source(%dma_start3A_71 : memref<1000000x32xf32, #tpu.memory_space<hbm>>) target(%arg6 : memref<416x32xf32, #tpu.memory_space<vmem>>) offsets(%dma_start3A_68 : memref<416xi32, #tpu.memory_space<vmem>>) semaphore(%arg14 : memref<!tpu.dma_semaphore, #tpu.memory_space<semaphore_mem>>)
    %dma_wait3A_72 = arith.constant 832 : i32
    %dma_wait3A_73 = tpu.memref_slice %arg5[%dma_wait3A_72] : memref<13312xi32, #tpu.memory_space<vmem>> -> memref<416xi32, #tpu.memory_space<vmem>>
    %dma_wait3A_74 = arith.constant 0 : i32
    %dma_wait3A_75 = arith.constant 0 : i32
    %dma_wait3A_76 = tpu.memref_slice %arg3[%dma_wait3A_74, %dma_wait3A_75] : memref<1000000x32xf32, #tpu.memory_space<hbm>> -> memref<1000000x32xf32, #tpu.memory_space<hbm>>
    tpu.wait_indirect_dma semaphore(%arg16 : memref<!tpu.dma_semaphore, #tpu.memory_space<semaphore_mem>>) src(%dma_wait3A_76 : memref<1000000x32xf32, #tpu.memory_space<hbm>>) dst(%arg8 : memref<416x32xf32, #tpu.memory_space<vmem>>)
    %add3A_77 = arith.constant 832 : i32
    %add3A_78 = arith.addi %mul3A_2, %add3A_77 : i32
    %dma_start3A_79 = arith.constant 0 : i32
    %dma_start3A_80 = tpu.memref_slice %arg4[%add3A_78, %dma_start3A_79] : memref<425984x32xf32, #tpu.memory_space<hbm>> -> memref<416x32xf32, #tpu.memory_space<hbm>>
    %dma_start3A_81 = arith.constant 0 : i32
    %dma_start3A_82 = tpu.memref_slice %arg4[%add3A_78, %dma_start3A_81] : memref<425984x32xf32, #tpu.memory_space<hbm>> -> memref<416x32xf32, #tpu.memory_space<hbm>>
    tpu.enqueue_dma source(%arg8 : memref<416x32xf32, #tpu.memory_space<vmem>>) target(%dma_start3A_82 : memref<416x32xf32, #tpu.memory_space<hbm>>) target_semaphore(%arg24 : memref<!tpu.dma_semaphore, #tpu.memory_space<semaphore_mem>>)
    %dma_wait3A_83 = arith.constant 0 : i32
    %dma_wait3A_84 = tpu.memref_slice %arg4[%add3A_58, %dma_wait3A_83] : memref<425984x32xf32, #tpu.memory_space<hbm>> -> memref<416x32xf32, #tpu.memory_space<hbm>>
    %dma_wait3A_85 = arith.constant 0 : i32
    %dma_wait3A_86 = tpu.memref_slice %arg4[%add3A_58, %dma_wait3A_85] : memref<425984x32xf32, #tpu.memory_space<hbm>> -> memref<416x32xf32, #tpu.memory_space<hbm>>
    tpu.wait_dma2 semaphore(%arg23 : memref<!tpu.dma_semaphore, #tpu.memory_space<semaphore_mem>>) src(%arg7 : memref<416x32xf32, #tpu.memory_space<vmem>>) dst(%dma_wait3A_86 : memref<416x32xf32, #tpu.memory_space<hbm>>)
    %dma_start3A_87 = arith.constant 3744 : i32
    %dma_start3A_88 = tpu.memref_slice %arg5[%dma_start3A_87] : memref<13312xi32, #tpu.memory_space<vmem>> -> memref<416xi32, #tpu.memory_space<vmem>>
    %dma_start3A_89 = arith.constant 0 : i32
    %dma_start3A_90 = arith.constant 0 : i32
    %dma_start3A_91 = tpu.memref_slice %arg3[%dma_start3A_89, %dma_start3A_90] : memref<1000000x32xf32, #tpu.memory_space<hbm>> -> memref<1000000x32xf32, #tpu.memory_space<hbm>>
    tpu.enqueue_indirect_dma source(%dma_start3A_91 : memref<1000000x32xf32, #tpu.memory_space<hbm>>) target(%arg7 : memref<416x32xf32, #tpu.memory_space<vmem>>) offsets(%dma_start3A_88 : memref<416xi32, #tpu.memory_space<vmem>>) semaphore(%arg15 : memref<!tpu.dma_semaphore, #tpu.memory_space<semaphore_mem>>)
    %dma_wait3A_92 = arith.constant 1248 : i32
    %dma_wait3A_93 = tpu.memref_slice %arg5[%dma_wait3A_92] : memref<13312xi32, #tpu.memory_space<vmem>> -> memref<416xi32, #tpu.memory_space<vmem>>
    %dma_wait3A_94 = arith.constant 0 : i32
    %dma_wait3A_95 = arith.constant 0 : i32
    %dma_wait3A_96 = tpu.memref_slice %arg3[%dma_wait3A_94, %dma_wait3A_95] : memref<1000000x32xf32, #tpu.memory_space<hbm>> -> memref<1000000x32xf32, #tpu.memory_space<hbm>>
    tpu.wait_indirect_dma semaphore(%arg17 : memref<!tpu.dma_semaphore, #tpu.memory_space<semaphore_mem>>) src(%dma_wait3A_96 : memref<1000000x32xf32, #tpu.memory_space<hbm>>) dst(%arg9 : memref<416x32xf32, #tpu.memory_space<vmem>>)
    %add3A_97 = arith.constant 1248 : i32
    %add3A_98 = arith.addi %mul3A_2, %add3A_97 : i32
    %dma_start3A_99 = arith.constant 0 : i32
    %dma_start3A_100 = tpu.memref_slice %arg4[%add3A_98, %dma_start3A_99] : memref<425984x32xf32, #tpu.memory_space<hbm>> -> memref<416x32xf32, #tpu.memory_space<hbm>>
    %dma_start3A_101 = arith.constant 0 : i32
    %dma_start3A_102 = tpu.memref_slice %arg4[%add3A_98, %dma_start3A_101] : memref<425984x32xf32, #tpu.memory_space<hbm>> -> memref<416x32xf32, #tpu.memory_space<hbm>>
    tpu.enqueue_dma source(%arg9 : memref<416x32xf32, #tpu.memory_space<vmem>>) target(%dma_start3A_102 : memref<416x32xf32, #tpu.memory_space<hbm>>) target_semaphore(%arg25 : memref<!tpu.dma_semaphore, #tpu.memory_space<semaphore_mem>>)
    %dma_wait3A_103 = arith.constant 0 : i32
    %dma_wait3A_104 = tpu.memref_slice %arg4[%add3A_78, %dma_wait3A_103] : memref<425984x32xf32, #tpu.memory_space<hbm>> -> memref<416x32xf32, #tpu.memory_space<hbm>>
    %dma_wait3A_105 = arith.constant 0 : i32
    %dma_wait3A_106 = tpu.memref_slice %arg4[%add3A_78, %dma_wait3A_105] : memref<425984x32xf32, #tpu.memory_space<hbm>> -> memref<416x32xf32, #tpu.memory_space<hbm>>
    tpu.wait_dma2 semaphore(%arg24 : memref<!tpu.dma_semaphore, #tpu.memory_space<semaphore_mem>>) src(%arg8 : memref<416x32xf32, #tpu.memory_space<vmem>>) dst(%dma_wait3A_106 : memref<416x32xf32, #tpu.memory_space<hbm>>)
    %dma_start3A_107 = arith.constant 4160 : i32
    %dma_start3A_108 = tpu.memref_slice %arg5[%dma_start3A_107] : memref<13312xi32, #tpu.memory_space<vmem>> -> memref<416xi32, #tpu.memory_space<vmem>>
    %dma_start3A_109 = arith.constant 0 : i32
    %dma_start3A_110 = arith.constant 0 : i32
    %dma_start3A_111 = tpu.memref_slice %arg3[%dma_start3A_109, %dma_start3A_110] : memref<1000000x32xf32, #tpu.memory_space<hbm>> -> memref<1000000x32xf32, #tpu.memory_space<hbm>>
    tpu.enqueue_indirect_dma source(%dma_start3A_111 : memref<1000000x32xf32, #tpu.memory_space<hbm>>) target(%arg8 : memref<416x32xf32, #tpu.memory_space<vmem>>) offsets(%dma_start3A_108 : memref<416xi32, #tpu.memory_space<vmem>>) semaphore(%arg16 : memref<!tpu.dma_semaphore, #tpu.memory_space<semaphore_mem>>)
    %dma_wait3A_112 = arith.constant 1664 : i32
    %dma_wait3A_113 = tpu.memref_slice %arg5[%dma_wait3A_112] : memref<13312xi32, #tpu.memory_space<vmem>> -> memref<416xi32, #tpu.memory_space<vmem>>
    %dma_wait3A_114 = arith.constant 0 : i32
    %dma_wait3A_115 = arith.constant 0 : i32
    %dma_wait3A_116 = tpu.memref_slice %arg3[%dma_wait3A_114, %dma_wait3A_115] : memref<1000000x32xf32, #tpu.memory_space<hbm>> -> memref<1000000x32xf32, #tpu.memory_space<hbm>>
    tpu.wait_indirect_dma semaphore(%arg18 : memref<!tpu.dma_semaphore, #tpu.memory_space<semaphore_mem>>) src(%dma_wait3A_116 : memref<1000000x32xf32, #tpu.memory_space<hbm>>) dst(%arg10 : memref<416x32xf32, #tpu.memory_space<vmem>>)
    %add3A_117 = arith.constant 1664 : i32
    %add3A_118 = arith.addi %mul3A_2, %add3A_117 : i32
    %dma_start3A_119 = arith.constant 0 : i32
    %dma_start3A_120 = tpu.memref_slice %arg4[%add3A_118, %dma_start3A_119] : memref<425984x32xf32, #tpu.memory_space<hbm>> -> memref<416x32xf32, #tpu.memory_space<hbm>>
    %dma_start3A_121 = arith.constant 0 : i32
    %dma_start3A_122 = tpu.memref_slice %arg4[%add3A_118, %dma_start3A_121] : memref<425984x32xf32, #tpu.memory_space<hbm>> -> memref<416x32xf32, #tpu.memory_space<hbm>>
    tpu.enqueue_dma source(%arg10 : memref<416x32xf32, #tpu.memory_space<vmem>>) target(%dma_start3A_122 : memref<416x32xf32, #tpu.memory_space<hbm>>) target_semaphore(%arg26 : memref<!tpu.dma_semaphore, #tpu.memory_space<semaphore_mem>>)
    %dma_wait3A_123 = arith.constant 0 : i32
    %dma_wait3A_124 = tpu.memref_slice %arg4[%add3A_98, %dma_wait3A_123] : memref<425984x32xf32, #tpu.memory_space<hbm>> -> memref<416x32xf32, #tpu.memory_space<hbm>>
    %dma_wait3A_125 = arith.constant 0 : i32
    %dma_wait3A_126 = tpu.memref_slice %arg4[%add3A_98, %dma_wait3A_125] : memref<425984x32xf32, #tpu.memory_space<hbm>> -> memref<416x32xf32, #tpu.memory_space<hbm>>
    tpu.wait_dma2 semaphore(%arg25 : memref<!tpu.dma_semaphore, #tpu.memory_space<semaphore_mem>>) src(%arg9 : memref<416x32xf32, #tpu.memory_space<vmem>>) dst(%dma_wait3A_126 : memref<416x32xf32, #tpu.memory_space<hbm>>)
    %dma_start3A_127 = arith.constant 4576 : i32
    %dma_start3A_128 = tpu.memref_slice %arg5[%dma_start3A_127] : memref<13312xi32, #tpu.memory_space<vmem>> -> memref<416xi32, #tpu.memory_space<vmem>>
    %dma_start3A_129 = arith.constant 0 : i32
    %dma_start3A_130 = arith.constant 0 : i32
    %dma_start3A_131 = tpu.memref_slice %arg3[%dma_start3A_129, %dma_start3A_130] : memref<1000000x32xf32, #tpu.memory_space<hbm>> -> memref<1000000x32xf32, #tpu.memory_space<hbm>>
    tpu.enqueue_indirect_dma source(%dma_start3A_131 : memref<1000000x32xf32, #tpu.memory_space<hbm>>) target(%arg9 : memref<416x32xf32, #tpu.memory_space<vmem>>) offsets(%dma_start3A_128 : memref<416xi32, #tpu.memory_space<vmem>>) semaphore(%arg17 : memref<!tpu.dma_semaphore, #tpu.memory_space<semaphore_mem>>)
    %dma_wait3A_132 = arith.constant 2080 : i32
    %dma_wait3A_133 = tpu.memref_slice %arg5[%dma_wait3A_132] : memref<13312xi32, #tpu.memory_space<vmem>> -> memref<416xi32, #tpu.memory_space<vmem>>
    %dma_wait3A_134 = arith.constant 0 : i32
    %dma_wait3A_135 = arith.constant 0 : i32
    %dma_wait3A_136 = tpu.memref_slice %arg3[%dma_wait3A_134, %dma_wait3A_135] : memref<1000000x32xf32, #tpu.memory_space<hbm>> -> memref<1000000x32xf32, #tpu.memory_space<hbm>>
    tpu.wait_indirect_dma semaphore(%arg19 : memref<!tpu.dma_semaphore, #tpu.memory_space<semaphore_mem>>) src(%dma_wait3A_136 : memref<1000000x32xf32, #tpu.memory_space<hbm>>) dst(%arg11 : memref<416x32xf32, #tpu.memory_space<vmem>>)
    %add3A_137 = arith.constant 2080 : i32
    %add3A_138 = arith.addi %mul3A_2, %add3A_137 : i32
    %dma_start3A_139 = arith.constant 0 : i32
    %dma_start3A_140 = tpu.memref_slice %arg4[%add3A_138, %dma_start3A_139] : memref<425984x32xf32, #tpu.memory_space<hbm>> -> memref<416x32xf32, #tpu.memory_space<hbm>>
    %dma_start3A_141 = arith.constant 0 : i32
    %dma_start3A_142 = tpu.memref_slice %arg4[%add3A_138, %dma_start3A_141] : memref<425984x32xf32, #tpu.memory_space<hbm>> -> memref<416x32xf32, #tpu.memory_space<hbm>>
    tpu.enqueue_dma source(%arg11 : memref<416x32xf32, #tpu.memory_space<vmem>>) target(%dma_start3A_142 : memref<416x32xf32, #tpu.memory_space<hbm>>) target_semaphore(%arg27 : memref<!tpu.dma_semaphore, #tpu.memory_space<semaphore_mem>>)
    %dma_wait3A_143 = arith.constant 0 : i32
    %dma_wait3A_144 = tpu.memref_slice %arg4[%add3A_118, %dma_wait3A_143] : memref<425984x32xf32, #tpu.memory_space<hbm>> -> memref<416x32xf32, #tpu.memory_space<hbm>>
    %dma_wait3A_145 = arith.constant 0 : i32
    %dma_wait3A_146 = tpu.memref_slice %arg4[%add3A_118, %dma_wait3A_145] : memref<425984x32xf32, #tpu.memory_space<hbm>> -> memref<416x32xf32, #tpu.memory_space<hbm>>
    tpu.wait_dma2 semaphore(%arg26 : memref<!tpu.dma_semaphore, #tpu.memory_space<semaphore_mem>>) src(%arg10 : memref<416x32xf32, #tpu.memory_space<vmem>>) dst(%dma_wait3A_146 : memref<416x32xf32, #tpu.memory_space<hbm>>)
    %dma_start3A_147 = arith.constant 4992 : i32
    %dma_start3A_148 = tpu.memref_slice %arg5[%dma_start3A_147] : memref<13312xi32, #tpu.memory_space<vmem>> -> memref<416xi32, #tpu.memory_space<vmem>>
    %dma_start3A_149 = arith.constant 0 : i32
    %dma_start3A_150 = arith.constant 0 : i32
    %dma_start3A_151 = tpu.memref_slice %arg3[%dma_start3A_149, %dma_start3A_150] : memref<1000000x32xf32, #tpu.memory_space<hbm>> -> memref<1000000x32xf32, #tpu.memory_space<hbm>>
    tpu.enqueue_indirect_dma source(%dma_start3A_151 : memref<1000000x32xf32, #tpu.memory_space<hbm>>) target(%arg10 : memref<416x32xf32, #tpu.memory_space<vmem>>) offsets(%dma_start3A_148 : memref<416xi32, #tpu.memory_space<vmem>>) semaphore(%arg18 : memref<!tpu.dma_semaphore, #tpu.memory_space<semaphore_mem>>)
    %dma_wait3A_152 = arith.constant 2496 : i32
    %dma_wait3A_153 = tpu.memref_slice %arg5[%dma_wait3A_152] : memref<13312xi32, #tpu.memory_space<vmem>> -> memref<416xi32, #tpu.memory_space<vmem>>
    %dma_wait3A_154 = arith.constant 0 : i32
    %dma_wait3A_155 = arith.constant 0 : i32
    %dma_wait3A_156 = tpu.memref_slice %arg3[%dma_wait3A_154, %dma_wait3A_155] : memref<1000000x32xf32, #tpu.memory_space<hbm>> -> memref<1000000x32xf32, #tpu.memory_space<hbm>>
    tpu.wait_indirect_dma semaphore(%arg20 : memref<!tpu.dma_semaphore, #tpu.memory_space<semaphore_mem>>) src(%dma_wait3A_156 : memref<1000000x32xf32, #tpu.memory_space<hbm>>) dst(%arg12 : memref<416x32xf32, #tpu.memory_space<vmem>>)
    %add3A_157 = arith.constant 2496 : i32
    %add3A_158 = arith.addi %mul3A_2, %add3A_157 : i32
    %dma_start3A_159 = arith.constant 0 : i32
    %dma_start3A_160 = tpu.memref_slice %arg4[%add3A_158, %dma_start3A_159] : memref<425984x32xf32, #tpu.memory_space<hbm>> -> memref<416x32xf32, #tpu.memory_space<hbm>>
    %dma_start3A_161 = arith.constant 0 : i32
    %dma_start3A_162 = tpu.memref_slice %arg4[%add3A_158, %dma_start3A_161] : memref<425984x32xf32, #tpu.memory_space<hbm>> -> memref<416x32xf32, #tpu.memory_space<hbm>>
    tpu.enqueue_dma source(%arg12 : memref<416x32xf32, #tpu.memory_space<vmem>>) target(%dma_start3A_162 : memref<416x32xf32, #tpu.memory_space<hbm>>) target_semaphore(%arg28 : memref<!tpu.dma_semaphore, #tpu.memory_space<semaphore_mem>>)
    %dma_wait3A_163 = arith.constant 0 : i32
    %dma_wait3A_164 = tpu.memref_slice %arg4[%add3A_138, %dma_wait3A_163] : memref<425984x32xf32, #tpu.memory_space<hbm>> -> memref<416x32xf32, #tpu.memory_space<hbm>>
    %dma_wait3A_165 = arith.constant 0 : i32
    %dma_wait3A_166 = tpu.memref_slice %arg4[%add3A_138, %dma_wait3A_165] : memref<425984x32xf32, #tpu.memory_space<hbm>> -> memref<416x32xf32, #tpu.memory_space<hbm>>
    tpu.wait_dma2 semaphore(%arg27 : memref<!tpu.dma_semaphore, #tpu.memory_space<semaphore_mem>>) src(%arg11 : memref<416x32xf32, #tpu.memory_space<vmem>>) dst(%dma_wait3A_166 : memref<416x32xf32, #tpu.memory_space<hbm>>)
    %dma_start3A_167 = arith.constant 5408 : i32
    %dma_start3A_168 = tpu.memref_slice %arg5[%dma_start3A_167] : memref<13312xi32, #tpu.memory_space<vmem>> -> memref<416xi32, #tpu.memory_space<vmem>>
    %dma_start3A_169 = arith.constant 0 : i32
    %dma_start3A_170 = arith.constant 0 : i32
    %dma_start3A_171 = tpu.memref_slice %arg3[%dma_start3A_169, %dma_start3A_170] : memref<1000000x32xf32, #tpu.memory_space<hbm>> -> memref<1000000x32xf32, #tpu.memory_space<hbm>>
    tpu.enqueue_indirect_dma source(%dma_start3A_171 : memref<1000000x32xf32, #tpu.memory_space<hbm>>) target(%arg11 : memref<416x32xf32, #tpu.memory_space<vmem>>) offsets(%dma_start3A_168 : memref<416xi32, #tpu.memory_space<vmem>>) semaphore(%arg19 : memref<!tpu.dma_semaphore, #tpu.memory_space<semaphore_mem>>)
    %dma_wait3A_172 = arith.constant 2912 : i32
    %dma_wait3A_173 = tpu.memref_slice %arg5[%dma_wait3A_172] : memref<13312xi32, #tpu.memory_space<vmem>> -> memref<416xi32, #tpu.memory_space<vmem>>
    %dma_wait3A_174 = arith.constant 0 : i32
    %dma_wait3A_175 = arith.constant 0 : i32
    %dma_wait3A_176 = tpu.memref_slice %arg3[%dma_wait3A_174, %dma_wait3A_175] : memref<1000000x32xf32, #tpu.memory_space<hbm>> -> memref<1000000x32xf32, #tpu.memory_space<hbm>>
    tpu.wait_indirect_dma semaphore(%arg21 : memref<!tpu.dma_semaphore, #tpu.memory_space<semaphore_mem>>) src(%dma_wait3A_176 : memref<1000000x32xf32, #tpu.memory_space<hbm>>) dst(%arg13 : memref<416x32xf32, #tpu.memory_space<vmem>>)
    %add3A_177 = arith.constant 2912 : i32
    %add3A_178 = arith.addi %mul3A_2, %add3A_177 : i32
    %dma_start3A_179 = arith.constant 0 : i32
    %dma_start3A_180 = tpu.memref_slice %arg4[%add3A_178, %dma_start3A_179] : memref<425984x32xf32, #tpu.memory_space<hbm>> -> memref<416x32xf32, #tpu.memory_space<hbm>>
    %dma_start3A_181 = arith.constant 0 : i32
    %dma_start3A_182 = tpu.memref_slice %arg4[%add3A_178, %dma_start3A_181] : memref<425984x32xf32, #tpu.memory_space<hbm>> -> memref<416x32xf32, #tpu.memory_space<hbm>>
    tpu.enqueue_dma source(%arg13 : memref<416x32xf32, #tpu.memory_space<vmem>>) target(%dma_start3A_182 : memref<416x32xf32, #tpu.memory_space<hbm>>) target_semaphore(%arg29 : memref<!tpu.dma_semaphore, #tpu.memory_space<semaphore_mem>>)
    %dma_wait3A_183 = arith.constant 0 : i32
    %dma_wait3A_184 = tpu.memref_slice %arg4[%add3A_158, %dma_wait3A_183] : memref<425984x32xf32, #tpu.memory_space<hbm>> -> memref<416x32xf32, #tpu.memory_space<hbm>>
    %dma_wait3A_185 = arith.constant 0 : i32
    %dma_wait3A_186 = tpu.memref_slice %arg4[%add3A_158, %dma_wait3A_185] : memref<425984x32xf32, #tpu.memory_space<hbm>> -> memref<416x32xf32, #tpu.memory_space<hbm>>
    tpu.wait_dma2 semaphore(%arg28 : memref<!tpu.dma_semaphore, #tpu.memory_space<semaphore_mem>>) src(%arg12 : memref<416x32xf32, #tpu.memory_space<vmem>>) dst(%dma_wait3A_186 : memref<416x32xf32, #tpu.memory_space<hbm>>)
    %dma_start3A_187 = arith.constant 5824 : i32
    %dma_start3A_188 = tpu.memref_slice %arg5[%dma_start3A_187] : memref<13312xi32, #tpu.memory_space<vmem>> -> memref<416xi32, #tpu.memory_space<vmem>>
    %dma_start3A_189 = arith.constant 0 : i32
    %dma_start3A_190 = arith.constant 0 : i32
    %dma_start3A_191 = tpu.memref_slice %arg3[%dma_start3A_189, %dma_start3A_190] : memref<1000000x32xf32, #tpu.memory_space<hbm>> -> memref<1000000x32xf32, #tpu.memory_space<hbm>>
    tpu.enqueue_indirect_dma source(%dma_start3A_191 : memref<1000000x32xf32, #tpu.memory_space<hbm>>) target(%arg12 : memref<416x32xf32, #tpu.memory_space<vmem>>) offsets(%dma_start3A_188 : memref<416xi32, #tpu.memory_space<vmem>>) semaphore(%arg20 : memref<!tpu.dma_semaphore, #tpu.memory_space<semaphore_mem>>)
    %dma_wait3A_192 = arith.constant 3328 : i32
    %dma_wait3A_193 = tpu.memref_slice %arg5[%dma_wait3A_192] : memref<13312xi32, #tpu.memory_space<vmem>> -> memref<416xi32, #tpu.memory_space<vmem>>
    %dma_wait3A_194 = arith.constant 0 : i32
    %dma_wait3A_195 = arith.constant 0 : i32
    %dma_wait3A_196 = tpu.memref_slice %arg3[%dma_wait3A_194, %dma_wait3A_195] : memref<1000000x32xf32, #tpu.memory_space<hbm>> -> memref<1000000x32xf32, #tpu.memory_space<hbm>>
    tpu.wait_indirect_dma semaphore(%arg14 : memref<!tpu.dma_semaphore, #tpu.memory_space<semaphore_mem>>) src(%dma_wait3A_196 : memref<1000000x32xf32, #tpu.memory_space<hbm>>) dst(%arg6 : memref<416x32xf32, #tpu.memory_space<vmem>>)
    %add3A_197 = arith.constant 3328 : i32
    %add3A_198 = arith.addi %mul3A_2, %add3A_197 : i32
    %dma_start3A_199 = arith.constant 0 : i32
    %dma_start3A_200 = tpu.memref_slice %arg4[%add3A_198, %dma_start3A_199] : memref<425984x32xf32, #tpu.memory_space<hbm>> -> memref<416x32xf32, #tpu.memory_space<hbm>>
    %dma_start3A_201 = arith.constant 0 : i32
    %dma_start3A_202 = tpu.memref_slice %arg4[%add3A_198, %dma_start3A_201] : memref<425984x32xf32, #tpu.memory_space<hbm>> -> memref<416x32xf32, #tpu.memory_space<hbm>>
    tpu.enqueue_dma source(%arg6 : memref<416x32xf32, #tpu.memory_space<vmem>>) target(%dma_start3A_202 : memref<416x32xf32, #tpu.memory_space<hbm>>) target_semaphore(%arg22 : memref<!tpu.dma_semaphore, #tpu.memory_space<semaphore_mem>>)
    %dma_wait3A_203 = arith.constant 0 : i32
    %dma_wait3A_204 = tpu.memref_slice %arg4[%add3A_178, %dma_wait3A_203] : memref<425984x32xf32, #tpu.memory_space<hbm>> -> memref<416x32xf32, #tpu.memory_space<hbm>>
    %dma_wait3A_205 = arith.constant 0 : i32
    %dma_wait3A_206 = tpu.memref_slice %arg4[%add3A_178, %dma_wait3A_205] : memref<425984x32xf32, #tpu.memory_space<hbm>> -> memref<416x32xf32, #tpu.memory_space<hbm>>
    tpu.wait_dma2 semaphore(%arg29 : memref<!tpu.dma_semaphore, #tpu.memory_space<semaphore_mem>>) src(%arg13 : memref<416x32xf32, #tpu.memory_space<vmem>>) dst(%dma_wait3A_206 : memref<416x32xf32, #tpu.memory_space<hbm>>)
    %dma_start3A_207 = arith.constant 6240 : i32
    %dma_start3A_208 = tpu.memref_slice %arg5[%dma_start3A_207] : memref<13312xi32, #tpu.memory_space<vmem>> -> memref<416xi32, #tpu.memory_space<vmem>>
    %dma_start3A_209 = arith.constant 0 : i32
    %dma_start3A_210 = arith.constant 0 : i32
    %dma_start3A_211 = tpu.memref_slice %arg3[%dma_start3A_209, %dma_start3A_210] : memref<1000000x32xf32, #tpu.memory_space<hbm>> -> memref<1000000x32xf32, #tpu.memory_space<hbm>>
    tpu.enqueue_indirect_dma source(%dma_start3A_211 : memref<1000000x32xf32, #tpu.memory_space<hbm>>) target(%arg13 : memref<416x32xf32, #tpu.memory_space<vmem>>) offsets(%dma_start3A_208 : memref<416xi32, #tpu.memory_space<vmem>>) semaphore(%arg21 : memref<!tpu.dma_semaphore, #tpu.memory_space<semaphore_mem>>)
    %dma_wait3A_212 = arith.constant 3744 : i32
    %dma_wait3A_213 = tpu.memref_slice %arg5[%dma_wait3A_212] : memref<13312xi32, #tpu.memory_space<vmem>> -> memref<416xi32, #tpu.memory_space<vmem>>
    %dma_wait3A_214 = arith.constant 0 : i32
    %dma_wait3A_215 = arith.constant 0 : i32
    %dma_wait3A_216 = tpu.memref_slice %arg3[%dma_wait3A_214, %dma_wait3A_215] : memref<1000000x32xf32, #tpu.memory_space<hbm>> -> memref<1000000x32xf32, #tpu.memory_space<hbm>>
    tpu.wait_indirect_dma semaphore(%arg15 : memref<!tpu.dma_semaphore, #tpu.memory_space<semaphore_mem>>) src(%dma_wait3A_216 : memref<1000000x32xf32, #tpu.memory_space<hbm>>) dst(%arg7 : memref<416x32xf32, #tpu.memory_space<vmem>>)
    %add3A_217 = arith.constant 3744 : i32
    %add3A_218 = arith.addi %mul3A_2, %add3A_217 : i32
    %dma_start3A_219 = arith.constant 0 : i32
    %dma_start3A_220 = tpu.memref_slice %arg4[%add3A_218, %dma_start3A_219] : memref<425984x32xf32, #tpu.memory_space<hbm>> -> memref<416x32xf32, #tpu.memory_space<hbm>>
    %dma_start3A_221 = arith.constant 0 : i32
    %dma_start3A_222 = tpu.memref_slice %arg4[%add3A_218, %dma_start3A_221] : memref<425984x32xf32, #tpu.memory_space<hbm>> -> memref<416x32xf32, #tpu.memory_space<hbm>>
    tpu.enqueue_dma source(%arg7 : memref<416x32xf32, #tpu.memory_space<vmem>>) target(%dma_start3A_222 : memref<416x32xf32, #tpu.memory_space<hbm>>) target_semaphore(%arg23 : memref<!tpu.dma_semaphore, #tpu.memory_space<semaphore_mem>>)
    %dma_wait3A_223 = arith.constant 0 : i32
    %dma_wait3A_224 = tpu.memref_slice %arg4[%add3A_198, %dma_wait3A_223] : memref<425984x32xf32, #tpu.memory_space<hbm>> -> memref<416x32xf32, #tpu.memory_space<hbm>>
    %dma_wait3A_225 = arith.constant 0 : i32
    %dma_wait3A_226 = tpu.memref_slice %arg4[%add3A_198, %dma_wait3A_225] : memref<425984x32xf32, #tpu.memory_space<hbm>> -> memref<416x32xf32, #tpu.memory_space<hbm>>
    tpu.wait_dma2 semaphore(%arg22 : memref<!tpu.dma_semaphore, #tpu.memory_space<semaphore_mem>>) src(%arg6 : memref<416x32xf32, #tpu.memory_space<vmem>>) dst(%dma_wait3A_226 : memref<416x32xf32, #tpu.memory_space<hbm>>)
    %dma_start3A_227 = arith.constant 6656 : i32
    %dma_start3A_228 = tpu.memref_slice %arg5[%dma_start3A_227] : memref<13312xi32, #tpu.memory_space<vmem>> -> memref<416xi32, #tpu.memory_space<vmem>>
    %dma_start3A_229 = arith.constant 0 : i32
    %dma_start3A_230 = arith.constant 0 : i32
    %dma_start3A_231 = tpu.memref_slice %arg3[%dma_start3A_229, %dma_start3A_230] : memref<1000000x32xf32, #tpu.memory_space<hbm>> -> memref<1000000x32xf32, #tpu.memory_space<hbm>>
    tpu.enqueue_indirect_dma source(%dma_start3A_231 : memref<1000000x32xf32, #tpu.memory_space<hbm>>) target(%arg6 : memref<416x32xf32, #tpu.memory_space<vmem>>) offsets(%dma_start3A_228 : memref<416xi32, #tpu.memory_space<vmem>>) semaphore(%arg14 : memref<!tpu.dma_semaphore, #tpu.memory_space<semaphore_mem>>)
    %dma_wait3A_232 = arith.constant 4160 : i32
    %dma_wait3A_233 = tpu.memref_slice %arg5[%dma_wait3A_232] : memref<13312xi32, #tpu.memory_space<vmem>> -> memref<416xi32, #tpu.memory_space<vmem>>
    %dma_wait3A_234 = arith.constant 0 : i32
    %dma_wait3A_235 = arith.constant 0 : i32
    %dma_wait3A_236 = tpu.memref_slice %arg3[%dma_wait3A_234, %dma_wait3A_235] : memref<1000000x32xf32, #tpu.memory_space<hbm>> -> memref<1000000x32xf32, #tpu.memory_space<hbm>>
    tpu.wait_indirect_dma semaphore(%arg16 : memref<!tpu.dma_semaphore, #tpu.memory_space<semaphore_mem>>) src(%dma_wait3A_236 : memref<1000000x32xf32, #tpu.memory_space<hbm>>) dst(%arg8 : memref<416x32xf32, #tpu.memory_space<vmem>>)
    %add3A_237 = arith.constant 4160 : i32
    %add3A_238 = arith.addi %mul3A_2, %add3A_237 : i32
    %dma_start3A_239 = arith.constant 0 : i32
    %dma_start3A_240 = tpu.memref_slice %arg4[%add3A_238, %dma_start3A_239] : memref<425984x32xf32, #tpu.memory_space<hbm>> -> memref<416x32xf32, #tpu.memory_space<hbm>>
    %dma_start3A_241 = arith.constant 0 : i32
    %dma_start3A_242 = tpu.memref_slice %arg4[%add3A_238, %dma_start3A_241] : memref<425984x32xf32, #tpu.memory_space<hbm>> -> memref<416x32xf32, #tpu.memory_space<hbm>>
    tpu.enqueue_dma source(%arg8 : memref<416x32xf32, #tpu.memory_space<vmem>>) target(%dma_start3A_242 : memref<416x32xf32, #tpu.memory_space<hbm>>) target_semaphore(%arg24 : memref<!tpu.dma_semaphore, #tpu.memory_space<semaphore_mem>>)
    %dma_wait3A_243 = arith.constant 0 : i32
    %dma_wait3A_244 = tpu.memref_slice %arg4[%add3A_218, %dma_wait3A_243] : memref<425984x32xf32, #tpu.memory_space<hbm>> -> memref<416x32xf32, #tpu.memory_space<hbm>>
    %dma_wait3A_245 = arith.constant 0 : i32
    %dma_wait3A_246 = tpu.memref_slice %arg4[%add3A_218, %dma_wait3A_245] : memref<425984x32xf32, #tpu.memory_space<hbm>> -> memref<416x32xf32, #tpu.memory_space<hbm>>
    tpu.wait_dma2 semaphore(%arg23 : memref<!tpu.dma_semaphore, #tpu.memory_space<semaphore_mem>>) src(%arg7 : memref<416x32xf32, #tpu.memory_space<vmem>>) dst(%dma_wait3A_246 : memref<416x32xf32, #tpu.memory_space<hbm>>)
    %dma_start3A_247 = arith.constant 7072 : i32
    %dma_start3A_248 = tpu.memref_slice %arg5[%dma_start3A_247] : memref<13312xi32, #tpu.memory_space<vmem>> -> memref<416xi32, #tpu.memory_space<vmem>>
    %dma_start3A_249 = arith.constant 0 : i32
    %dma_start3A_250 = arith.constant 0 : i32
    %dma_start3A_251 = tpu.memref_slice %arg3[%dma_start3A_249, %dma_start3A_250] : memref<1000000x32xf32, #tpu.memory_space<hbm>> -> memref<1000000x32xf32, #tpu.memory_space<hbm>>
    tpu.enqueue_indirect_dma source(%dma_start3A_251 : memref<1000000x32xf32, #tpu.memory_space<hbm>>) target(%arg7 : memref<416x32xf32, #tpu.memory_space<vmem>>) offsets(%dma_start3A_248 : memref<416xi32, #tpu.memory_space<vmem>>) semaphore(%arg15 : memref<!tpu.dma_semaphore, #tpu.memory_space<semaphore_mem>>)
    %dma_wait3A_252 = arith.constant 4576 : i32
    %dma_wait3A_253 = tpu.memref_slice %arg5[%dma_wait3A_252] : memref<13312xi32, #tpu.memory_space<vmem>> -> memref<416xi32, #tpu.memory_space<vmem>>
    %dma_wait3A_254 = arith.constant 0 : i32
    %dma_wait3A_255 = arith.constant 0 : i32
    %dma_wait3A_256 = tpu.memref_slice %arg3[%dma_wait3A_254, %dma_wait3A_255] : memref<1000000x32xf32, #tpu.memory_space<hbm>> -> memref<1000000x32xf32, #tpu.memory_space<hbm>>
    tpu.wait_indirect_dma semaphore(%arg17 : memref<!tpu.dma_semaphore, #tpu.memory_space<semaphore_mem>>) src(%dma_wait3A_256 : memref<1000000x32xf32, #tpu.memory_space<hbm>>) dst(%arg9 : memref<416x32xf32, #tpu.memory_space<vmem>>)
    %add3A_257 = arith.constant 4576 : i32
    %add3A_258 = arith.addi %mul3A_2, %add3A_257 : i32
    %dma_start3A_259 = arith.constant 0 : i32
    %dma_start3A_260 = tpu.memref_slice %arg4[%add3A_258, %dma_start3A_259] : memref<425984x32xf32, #tpu.memory_space<hbm>> -> memref<416x32xf32, #tpu.memory_space<hbm>>
    %dma_start3A_261 = arith.constant 0 : i32
    %dma_start3A_262 = tpu.memref_slice %arg4[%add3A_258, %dma_start3A_261] : memref<425984x32xf32, #tpu.memory_space<hbm>> -> memref<416x32xf32, #tpu.memory_space<hbm>>
    tpu.enqueue_dma source(%arg9 : memref<416x32xf32, #tpu.memory_space<vmem>>) target(%dma_start3A_262 : memref<416x32xf32, #tpu.memory_space<hbm>>) target_semaphore(%arg25 : memref<!tpu.dma_semaphore, #tpu.memory_space<semaphore_mem>>)
    %dma_wait3A_263 = arith.constant 0 : i32
    %dma_wait3A_264 = tpu.memref_slice %arg4[%add3A_238, %dma_wait3A_263] : memref<425984x32xf32, #tpu.memory_space<hbm>> -> memref<416x32xf32, #tpu.memory_space<hbm>>
    %dma_wait3A_265 = arith.constant 0 : i32
    %dma_wait3A_266 = tpu.memref_slice %arg4[%add3A_238, %dma_wait3A_265] : memref<425984x32xf32, #tpu.memory_space<hbm>> -> memref<416x32xf32, #tpu.memory_space<hbm>>
    tpu.wait_dma2 semaphore(%arg24 : memref<!tpu.dma_semaphore, #tpu.memory_space<semaphore_mem>>) src(%arg8 : memref<416x32xf32, #tpu.memory_space<vmem>>) dst(%dma_wait3A_266 : memref<416x32xf32, #tpu.memory_space<hbm>>)
    %dma_start3A_267 = arith.constant 7488 : i32
    %dma_start3A_268 = tpu.memref_slice %arg5[%dma_start3A_267] : memref<13312xi32, #tpu.memory_space<vmem>> -> memref<416xi32, #tpu.memory_space<vmem>>
    %dma_start3A_269 = arith.constant 0 : i32
    %dma_start3A_270 = arith.constant 0 : i32
    %dma_start3A_271 = tpu.memref_slice %arg3[%dma_start3A_269, %dma_start3A_270] : memref<1000000x32xf32, #tpu.memory_space<hbm>> -> memref<1000000x32xf32, #tpu.memory_space<hbm>>
    tpu.enqueue_indirect_dma source(%dma_start3A_271 : memref<1000000x32xf32, #tpu.memory_space<hbm>>) target(%arg8 : memref<416x32xf32, #tpu.memory_space<vmem>>) offsets(%dma_start3A_268 : memref<416xi32, #tpu.memory_space<vmem>>) semaphore(%arg16 : memref<!tpu.dma_semaphore, #tpu.memory_space<semaphore_mem>>)
    %dma_wait3A_272 = arith.constant 4992 : i32
    %dma_wait3A_273 = tpu.memref_slice %arg5[%dma_wait3A_272] : memref<13312xi32, #tpu.memory_space<vmem>> -> memref<416xi32, #tpu.memory_space<vmem>>
    %dma_wait3A_274 = arith.constant 0 : i32
    %dma_wait3A_275 = arith.constant 0 : i32
    %dma_wait3A_276 = tpu.memref_slice %arg3[%dma_wait3A_274, %dma_wait3A_275] : memref<1000000x32xf32, #tpu.memory_space<hbm>> -> memref<1000000x32xf32, #tpu.memory_space<hbm>>
    tpu.wait_indirect_dma semaphore(%arg18 : memref<!tpu.dma_semaphore, #tpu.memory_space<semaphore_mem>>) src(%dma_wait3A_276 : memref<1000000x32xf32, #tpu.memory_space<hbm>>) dst(%arg10 : memref<416x32xf32, #tpu.memory_space<vmem>>)
    %add3A_277 = arith.constant 4992 : i32
    %add3A_278 = arith.addi %mul3A_2, %add3A_277 : i32
    %dma_start3A_279 = arith.constant 0 : i32
    %dma_start3A_280 = tpu.memref_slice %arg4[%add3A_278, %dma_start3A_279] : memref<425984x32xf32, #tpu.memory_space<hbm>> -> memref<416x32xf32, #tpu.memory_space<hbm>>
    %dma_start3A_281 = arith.constant 0 : i32
    %dma_start3A_282 = tpu.memref_slice %arg4[%add3A_278, %dma_start3A_281] : memref<425984x32xf32, #tpu.memory_space<hbm>> -> memref<416x32xf32, #tpu.memory_space<hbm>>
    tpu.enqueue_dma source(%arg10 : memref<416x32xf32, #tpu.memory_space<vmem>>) target(%dma_start3A_282 : memref<416x32xf32, #tpu.memory_space<hbm>>) target_semaphore(%arg26 : memref<!tpu.dma_semaphore, #tpu.memory_space<semaphore_mem>>)
    %dma_wait3A_283 = arith.constant 0 : i32
    %dma_wait3A_284 = tpu.memref_slice %arg4[%add3A_258, %dma_wait3A_283] : memref<425984x32xf32, #tpu.memory_space<hbm>> -> memref<416x32xf32, #tpu.memory_space<hbm>>
    %dma_wait3A_285 = arith.constant 0 : i32
    %dma_wait3A_286 = tpu.memref_slice %arg4[%add3A_258, %dma_wait3A_285] : memref<425984x32xf32, #tpu.memory_space<hbm>> -> memref<416x32xf32, #tpu.memory_space<hbm>>
    tpu.wait_dma2 semaphore(%arg25 : memref<!tpu.dma_semaphore, #tpu.memory_space<semaphore_mem>>) src(%arg9 : memref<416x32xf32, #tpu.memory_space<vmem>>) dst(%dma_wait3A_286 : memref<416x32xf32, #tpu.memory_space<hbm>>)
    %dma_start3A_287 = arith.constant 7904 : i32
    %dma_start3A_288 = tpu.memref_slice %arg5[%dma_start3A_287] : memref<13312xi32, #tpu.memory_space<vmem>> -> memref<416xi32, #tpu.memory_space<vmem>>
    %dma_start3A_289 = arith.constant 0 : i32
    %dma_start3A_290 = arith.constant 0 : i32
    %dma_start3A_291 = tpu.memref_slice %arg3[%dma_start3A_289, %dma_start3A_290] : memref<1000000x32xf32, #tpu.memory_space<hbm>> -> memref<1000000x32xf32, #tpu.memory_space<hbm>>
    tpu.enqueue_indirect_dma source(%dma_start3A_291 : memref<1000000x32xf32, #tpu.memory_space<hbm>>) target(%arg9 : memref<416x32xf32, #tpu.memory_space<vmem>>) offsets(%dma_start3A_288 : memref<416xi32, #tpu.memory_space<vmem>>) semaphore(%arg17 : memref<!tpu.dma_semaphore, #tpu.memory_space<semaphore_mem>>)
    %dma_wait3A_292 = arith.constant 5408 : i32
    %dma_wait3A_293 = tpu.memref_slice %arg5[%dma_wait3A_292] : memref<13312xi32, #tpu.memory_space<vmem>> -> memref<416xi32, #tpu.memory_space<vmem>>
    %dma_wait3A_294 = arith.constant 0 : i32
    %dma_wait3A_295 = arith.constant 0 : i32
    %dma_wait3A_296 = tpu.memref_slice %arg3[%dma_wait3A_294, %dma_wait3A_295] : memref<1000000x32xf32, #tpu.memory_space<hbm>> -> memref<1000000x32xf32, #tpu.memory_space<hbm>>
    tpu.wait_indirect_dma semaphore(%arg19 : memref<!tpu.dma_semaphore, #tpu.memory_space<semaphore_mem>>) src(%dma_wait3A_296 : memref<1000000x32xf32, #tpu.memory_space<hbm>>) dst(%arg11 : memref<416x32xf32, #tpu.memory_space<vmem>>)
    %add3A_297 = arith.constant 5408 : i32
    %add3A_298 = arith.addi %mul3A_2, %add3A_297 : i32
    %dma_start3A_299 = arith.constant 0 : i32
    %dma_start3A_300 = tpu.memref_slice %arg4[%add3A_298, %dma_start3A_299] : memref<425984x32xf32, #tpu.memory_space<hbm>> -> memref<416x32xf32, #tpu.memory_space<hbm>>
    %dma_start3A_301 = arith.constant 0 : i32
    %dma_start3A_302 = tpu.memref_slice %arg4[%add3A_298, %dma_start3A_301] : memref<425984x32xf32, #tpu.memory_space<hbm>> -> memref<416x32xf32, #tpu.memory_space<hbm>>
    tpu.enqueue_dma source(%arg11 : memref<416x32xf32, #tpu.memory_space<vmem>>) target(%dma_start3A_302 : memref<416x32xf32, #tpu.memory_space<hbm>>) target_semaphore(%arg27 : memref<!tpu.dma_semaphore, #tpu.memory_space<semaphore_mem>>)
    %dma_wait3A_303 = arith.constant 0 : i32
    %dma_wait3A_304 = tpu.memref_slice %arg4[%add3A_278, %dma_wait3A_303] : memref<425984x32xf32, #tpu.memory_space<hbm>> -> memref<416x32xf32, #tpu.memory_space<hbm>>
    %dma_wait3A_305 = arith.constant 0 : i32
    %dma_wait3A_306 = tpu.memref_slice %arg4[%add3A_278, %dma_wait3A_305] : memref<425984x32xf32, #tpu.memory_space<hbm>> -> memref<416x32xf32, #tpu.memory_space<hbm>>
    tpu.wait_dma2 semaphore(%arg26 : memref<!tpu.dma_semaphore, #tpu.memory_space<semaphore_mem>>) src(%arg10 : memref<416x32xf32, #tpu.memory_space<vmem>>) dst(%dma_wait3A_306 : memref<416x32xf32, #tpu.memory_space<hbm>>)
    %dma_start3A_307 = arith.constant 8320 : i32
    %dma_start3A_308 = tpu.memref_slice %arg5[%dma_start3A_307] : memref<13312xi32, #tpu.memory_space<vmem>> -> memref<416xi32, #tpu.memory_space<vmem>>
    %dma_start3A_309 = arith.constant 0 : i32
    %dma_start3A_310 = arith.constant 0 : i32
    %dma_start3A_311 = tpu.memref_slice %arg3[%dma_start3A_309, %dma_start3A_310] : memref<1000000x32xf32, #tpu.memory_space<hbm>> -> memref<1000000x32xf32, #tpu.memory_space<hbm>>
    tpu.enqueue_indirect_dma source(%dma_start3A_311 : memref<1000000x32xf32, #tpu.memory_space<hbm>>) target(%arg10 : memref<416x32xf32, #tpu.memory_space<vmem>>) offsets(%dma_start3A_308 : memref<416xi32, #tpu.memory_space<vmem>>) semaphore(%arg18 : memref<!tpu.dma_semaphore, #tpu.memory_space<semaphore_mem>>)
    %dma_wait3A_312 = arith.constant 5824 : i32
    %dma_wait3A_313 = tpu.memref_slice %arg5[%dma_wait3A_312] : memref<13312xi32, #tpu.memory_space<vmem>> -> memref<416xi32, #tpu.memory_space<vmem>>
    %dma_wait3A_314 = arith.constant 0 : i32
    %dma_wait3A_315 = arith.constant 0 : i32
    %dma_wait3A_316 = tpu.memref_slice %arg3[%dma_wait3A_314, %dma_wait3A_315] : memref<1000000x32xf32, #tpu.memory_space<hbm>> -> memref<1000000x32xf32, #tpu.memory_space<hbm>>
    tpu.wait_indirect_dma semaphore(%arg20 : memref<!tpu.dma_semaphore, #tpu.memory_space<semaphore_mem>>) src(%dma_wait3A_316 : memref<1000000x32xf32, #tpu.memory_space<hbm>>) dst(%arg12 : memref<416x32xf32, #tpu.memory_space<vmem>>)
    %add3A_317 = arith.constant 5824 : i32
    %add3A_318 = arith.addi %mul3A_2, %add3A_317 : i32
    %dma_start3A_319 = arith.constant 0 : i32
    %dma_start3A_320 = tpu.memref_slice %arg4[%add3A_318, %dma_start3A_319] : memref<425984x32xf32, #tpu.memory_space<hbm>> -> memref<416x32xf32, #tpu.memory_space<hbm>>
    %dma_start3A_321 = arith.constant 0 : i32
    %dma_start3A_322 = tpu.memref_slice %arg4[%add3A_318, %dma_start3A_321] : memref<425984x32xf32, #tpu.memory_space<hbm>> -> memref<416x32xf32, #tpu.memory_space<hbm>>
    tpu.enqueue_dma source(%arg12 : memref<416x32xf32, #tpu.memory_space<vmem>>) target(%dma_start3A_322 : memref<416x32xf32, #tpu.memory_space<hbm>>) target_semaphore(%arg28 : memref<!tpu.dma_semaphore, #tpu.memory_space<semaphore_mem>>)
    %dma_wait3A_323 = arith.constant 0 : i32
    %dma_wait3A_324 = tpu.memref_slice %arg4[%add3A_298, %dma_wait3A_323] : memref<425984x32xf32, #tpu.memory_space<hbm>> -> memref<416x32xf32, #tpu.memory_space<hbm>>
    %dma_wait3A_325 = arith.constant 0 : i32
    %dma_wait3A_326 = tpu.memref_slice %arg4[%add3A_298, %dma_wait3A_325] : memref<425984x32xf32, #tpu.memory_space<hbm>> -> memref<416x32xf32, #tpu.memory_space<hbm>>
    tpu.wait_dma2 semaphore(%arg27 : memref<!tpu.dma_semaphore, #tpu.memory_space<semaphore_mem>>) src(%arg11 : memref<416x32xf32, #tpu.memory_space<vmem>>) dst(%dma_wait3A_326 : memref<416x32xf32, #tpu.memory_space<hbm>>)
    %dma_start3A_327 = arith.constant 8736 : i32
    %dma_start3A_328 = tpu.memref_slice %arg5[%dma_start3A_327] : memref<13312xi32, #tpu.memory_space<vmem>> -> memref<416xi32, #tpu.memory_space<vmem>>
    %dma_start3A_329 = arith.constant 0 : i32
    %dma_start3A_330 = arith.constant 0 : i32
    %dma_start3A_331 = tpu.memref_slice %arg3[%dma_start3A_329, %dma_start3A_330] : memref<1000000x32xf32, #tpu.memory_space<hbm>> -> memref<1000000x32xf32, #tpu.memory_space<hbm>>
    tpu.enqueue_indirect_dma source(%dma_start3A_331 : memref<1000000x32xf32, #tpu.memory_space<hbm>>) target(%arg11 : memref<416x32xf32, #tpu.memory_space<vmem>>) offsets(%dma_start3A_328 : memref<416xi32, #tpu.memory_space<vmem>>) semaphore(%arg19 : memref<!tpu.dma_semaphore, #tpu.memory_space<semaphore_mem>>)
    %dma_wait3A_332 = arith.constant 6240 : i32
    %dma_wait3A_333 = tpu.memref_slice %arg5[%dma_wait3A_332] : memref<13312xi32, #tpu.memory_space<vmem>> -> memref<416xi32, #tpu.memory_space<vmem>>
    %dma_wait3A_334 = arith.constant 0 : i32
    %dma_wait3A_335 = arith.constant 0 : i32
    %dma_wait3A_336 = tpu.memref_slice %arg3[%dma_wait3A_334, %dma_wait3A_335] : memref<1000000x32xf32, #tpu.memory_space<hbm>> -> memref<1000000x32xf32, #tpu.memory_space<hbm>>
    tpu.wait_indirect_dma semaphore(%arg21 : memref<!tpu.dma_semaphore, #tpu.memory_space<semaphore_mem>>) src(%dma_wait3A_336 : memref<1000000x32xf32, #tpu.memory_space<hbm>>) dst(%arg13 : memref<416x32xf32, #tpu.memory_space<vmem>>)
    %add3A_337 = arith.constant 6240 : i32
    %add3A_338 = arith.addi %mul3A_2, %add3A_337 : i32
    %dma_start3A_339 = arith.constant 0 : i32
    %dma_start3A_340 = tpu.memref_slice %arg4[%add3A_338, %dma_start3A_339] : memref<425984x32xf32, #tpu.memory_space<hbm>> -> memref<416x32xf32, #tpu.memory_space<hbm>>
    %dma_start3A_341 = arith.constant 0 : i32
    %dma_start3A_342 = tpu.memref_slice %arg4[%add3A_338, %dma_start3A_341] : memref<425984x32xf32, #tpu.memory_space<hbm>> -> memref<416x32xf32, #tpu.memory_space<hbm>>
    tpu.enqueue_dma source(%arg13 : memref<416x32xf32, #tpu.memory_space<vmem>>) target(%dma_start3A_342 : memref<416x32xf32, #tpu.memory_space<hbm>>) target_semaphore(%arg29 : memref<!tpu.dma_semaphore, #tpu.memory_space<semaphore_mem>>)
    %dma_wait3A_343 = arith.constant 0 : i32
    %dma_wait3A_344 = tpu.memref_slice %arg4[%add3A_318, %dma_wait3A_343] : memref<425984x32xf32, #tpu.memory_space<hbm>> -> memref<416x32xf32, #tpu.memory_space<hbm>>
    %dma_wait3A_345 = arith.constant 0 : i32
    %dma_wait3A_346 = tpu.memref_slice %arg4[%add3A_318, %dma_wait3A_345] : memref<425984x32xf32, #tpu.memory_space<hbm>> -> memref<416x32xf32, #tpu.memory_space<hbm>>
    tpu.wait_dma2 semaphore(%arg28 : memref<!tpu.dma_semaphore, #tpu.memory_space<semaphore_mem>>) src(%arg12 : memref<416x32xf32, #tpu.memory_space<vmem>>) dst(%dma_wait3A_346 : memref<416x32xf32, #tpu.memory_space<hbm>>)
    %dma_start3A_347 = arith.constant 9152 : i32
    %dma_start3A_348 = tpu.memref_slice %arg5[%dma_start3A_347] : memref<13312xi32, #tpu.memory_space<vmem>> -> memref<416xi32, #tpu.memory_space<vmem>>
    %dma_start3A_349 = arith.constant 0 : i32
    %dma_start3A_350 = arith.constant 0 : i32
    %dma_start3A_351 = tpu.memref_slice %arg3[%dma_start3A_349, %dma_start3A_350] : memref<1000000x32xf32, #tpu.memory_space<hbm>> -> memref<1000000x32xf32, #tpu.memory_space<hbm>>
    tpu.enqueue_indirect_dma source(%dma_start3A_351 : memref<1000000x32xf32, #tpu.memory_space<hbm>>) target(%arg12 : memref<416x32xf32, #tpu.memory_space<vmem>>) offsets(%dma_start3A_348 : memref<416xi32, #tpu.memory_space<vmem>>) semaphore(%arg20 : memref<!tpu.dma_semaphore, #tpu.memory_space<semaphore_mem>>)
    %dma_wait3A_352 = arith.constant 6656 : i32
    %dma_wait3A_353 = tpu.memref_slice %arg5[%dma_wait3A_352] : memref<13312xi32, #tpu.memory_space<vmem>> -> memref<416xi32, #tpu.memory_space<vmem>>
    %dma_wait3A_354 = arith.constant 0 : i32
    %dma_wait3A_355 = arith.constant 0 : i32
    %dma_wait3A_356 = tpu.memref_slice %arg3[%dma_wait3A_354, %dma_wait3A_355] : memref<1000000x32xf32, #tpu.memory_space<hbm>> -> memref<1000000x32xf32, #tpu.memory_space<hbm>>
    tpu.wait_indirect_dma semaphore(%arg14 : memref<!tpu.dma_semaphore, #tpu.memory_space<semaphore_mem>>) src(%dma_wait3A_356 : memref<1000000x32xf32, #tpu.memory_space<hbm>>) dst(%arg6 : memref<416x32xf32, #tpu.memory_space<vmem>>)
    %add3A_357 = arith.constant 6656 : i32
    %add3A_358 = arith.addi %mul3A_2, %add3A_357 : i32
    %dma_start3A_359 = arith.constant 0 : i32
    %dma_start3A_360 = tpu.memref_slice %arg4[%add3A_358, %dma_start3A_359] : memref<425984x32xf32, #tpu.memory_space<hbm>> -> memref<416x32xf32, #tpu.memory_space<hbm>>
    %dma_start3A_361 = arith.constant 0 : i32
    %dma_start3A_362 = tpu.memref_slice %arg4[%add3A_358, %dma_start3A_361] : memref<425984x32xf32, #tpu.memory_space<hbm>> -> memref<416x32xf32, #tpu.memory_space<hbm>>
    tpu.enqueue_dma source(%arg6 : memref<416x32xf32, #tpu.memory_space<vmem>>) target(%dma_start3A_362 : memref<416x32xf32, #tpu.memory_space<hbm>>) target_semaphore(%arg22 : memref<!tpu.dma_semaphore, #tpu.memory_space<semaphore_mem>>)
    %dma_wait3A_363 = arith.constant 0 : i32
    %dma_wait3A_364 = tpu.memref_slice %arg4[%add3A_338, %dma_wait3A_363] : memref<425984x32xf32, #tpu.memory_space<hbm>> -> memref<416x32xf32, #tpu.memory_space<hbm>>
    %dma_wait3A_365 = arith.constant 0 : i32
    %dma_wait3A_366 = tpu.memref_slice %arg4[%add3A_338, %dma_wait3A_365] : memref<425984x32xf32, #tpu.memory_space<hbm>> -> memref<416x32xf32, #tpu.memory_space<hbm>>
    tpu.wait_dma2 semaphore(%arg29 : memref<!tpu.dma_semaphore, #tpu.memory_space<semaphore_mem>>) src(%arg13 : memref<416x32xf32, #tpu.memory_space<vmem>>) dst(%dma_wait3A_366 : memref<416x32xf32, #tpu.memory_space<hbm>>)
    %dma_start3A_367 = arith.constant 9568 : i32
    %dma_start3A_368 = tpu.memref_slice %arg5[%dma_start3A_367] : memref<13312xi32, #tpu.memory_space<vmem>> -> memref<416xi32, #tpu.memory_space<vmem>>
    %dma_start3A_369 = arith.constant 0 : i32
    %dma_start3A_370 = arith.constant 0 : i32
    %dma_start3A_371 = tpu.memref_slice %arg3[%dma_start3A_369, %dma_start3A_370] : memref<1000000x32xf32, #tpu.memory_space<hbm>> -> memref<1000000x32xf32, #tpu.memory_space<hbm>>
    tpu.enqueue_indirect_dma source(%dma_start3A_371 : memref<1000000x32xf32, #tpu.memory_space<hbm>>) target(%arg13 : memref<416x32xf32, #tpu.memory_space<vmem>>) offsets(%dma_start3A_368 : memref<416xi32, #tpu.memory_space<vmem>>) semaphore(%arg21 : memref<!tpu.dma_semaphore, #tpu.memory_space<semaphore_mem>>)
    %dma_wait3A_372 = arith.constant 7072 : i32
    %dma_wait3A_373 = tpu.memref_slice %arg5[%dma_wait3A_372] : memref<13312xi32, #tpu.memory_space<vmem>> -> memref<416xi32, #tpu.memory_space<vmem>>
    %dma_wait3A_374 = arith.constant 0 : i32
    %dma_wait3A_375 = arith.constant 0 : i32
    %dma_wait3A_376 = tpu.memref_slice %arg3[%dma_wait3A_374, %dma_wait3A_375] : memref<1000000x32xf32, #tpu.memory_space<hbm>> -> memref<1000000x32xf32, #tpu.memory_space<hbm>>
    tpu.wait_indirect_dma semaphore(%arg15 : memref<!tpu.dma_semaphore, #tpu.memory_space<semaphore_mem>>) src(%dma_wait3A_376 : memref<1000000x32xf32, #tpu.memory_space<hbm>>) dst(%arg7 : memref<416x32xf32, #tpu.memory_space<vmem>>)
    %add3A_377 = arith.constant 7072 : i32
    %add3A_378 = arith.addi %mul3A_2, %add3A_377 : i32
    %dma_start3A_379 = arith.constant 0 : i32
    %dma_start3A_380 = tpu.memref_slice %arg4[%add3A_378, %dma_start3A_379] : memref<425984x32xf32, #tpu.memory_space<hbm>> -> memref<416x32xf32, #tpu.memory_space<hbm>>
    %dma_start3A_381 = arith.constant 0 : i32
    %dma_start3A_382 = tpu.memref_slice %arg4[%add3A_378, %dma_start3A_381] : memref<425984x32xf32, #tpu.memory_space<hbm>> -> memref<416x32xf32, #tpu.memory_space<hbm>>
    tpu.enqueue_dma source(%arg7 : memref<416x32xf32, #tpu.memory_space<vmem>>) target(%dma_start3A_382 : memref<416x32xf32, #tpu.memory_space<hbm>>) target_semaphore(%arg23 : memref<!tpu.dma_semaphore, #tpu.memory_space<semaphore_mem>>)
    %dma_wait3A_383 = arith.constant 0 : i32
    %dma_wait3A_384 = tpu.memref_slice %arg4[%add3A_358, %dma_wait3A_383] : memref<425984x32xf32, #tpu.memory_space<hbm>> -> memref<416x32xf32, #tpu.memory_space<hbm>>
    %dma_wait3A_385 = arith.constant 0 : i32
    %dma_wait3A_386 = tpu.memref_slice %arg4[%add3A_358, %dma_wait3A_385] : memref<425984x32xf32, #tpu.memory_space<hbm>> -> memref<416x32xf32, #tpu.memory_space<hbm>>
    tpu.wait_dma2 semaphore(%arg22 : memref<!tpu.dma_semaphore, #tpu.memory_space<semaphore_mem>>) src(%arg6 : memref<416x32xf32, #tpu.memory_space<vmem>>) dst(%dma_wait3A_386 : memref<416x32xf32, #tpu.memory_space<hbm>>)
    %dma_start3A_387 = arith.constant 9984 : i32
    %dma_start3A_388 = tpu.memref_slice %arg5[%dma_start3A_387] : memref<13312xi32, #tpu.memory_space<vmem>> -> memref<416xi32, #tpu.memory_space<vmem>>
    %dma_start3A_389 = arith.constant 0 : i32
    %dma_start3A_390 = arith.constant 0 : i32
    %dma_start3A_391 = tpu.memref_slice %arg3[%dma_start3A_389, %dma_start3A_390] : memref<1000000x32xf32, #tpu.memory_space<hbm>> -> memref<1000000x32xf32, #tpu.memory_space<hbm>>
    tpu.enqueue_indirect_dma source(%dma_start3A_391 : memref<1000000x32xf32, #tpu.memory_space<hbm>>) target(%arg6 : memref<416x32xf32, #tpu.memory_space<vmem>>) offsets(%dma_start3A_388 : memref<416xi32, #tpu.memory_space<vmem>>) semaphore(%arg14 : memref<!tpu.dma_semaphore, #tpu.memory_space<semaphore_mem>>)
    %dma_wait3A_392 = arith.constant 7488 : i32
    %dma_wait3A_393 = tpu.memref_slice %arg5[%dma_wait3A_392] : memref<13312xi32, #tpu.memory_space<vmem>> -> memref<416xi32, #tpu.memory_space<vmem>>
    %dma_wait3A_394 = arith.constant 0 : i32
    %dma_wait3A_395 = arith.constant 0 : i32
    %dma_wait3A_396 = tpu.memref_slice %arg3[%dma_wait3A_394, %dma_wait3A_395] : memref<1000000x32xf32, #tpu.memory_space<hbm>> -> memref<1000000x32xf32, #tpu.memory_space<hbm>>
    tpu.wait_indirect_dma semaphore(%arg16 : memref<!tpu.dma_semaphore, #tpu.memory_space<semaphore_mem>>) src(%dma_wait3A_396 : memref<1000000x32xf32, #tpu.memory_space<hbm>>) dst(%arg8 : memref<416x32xf32, #tpu.memory_space<vmem>>)
    %add3A_397 = arith.constant 7488 : i32
    %add3A_398 = arith.addi %mul3A_2, %add3A_397 : i32
    %dma_start3A_399 = arith.constant 0 : i32
    %dma_start3A_400 = tpu.memref_slice %arg4[%add3A_398, %dma_start3A_399] : memref<425984x32xf32, #tpu.memory_space<hbm>> -> memref<416x32xf32, #tpu.memory_space<hbm>>
    %dma_start3A_401 = arith.constant 0 : i32
    %dma_start3A_402 = tpu.memref_slice %arg4[%add3A_398, %dma_start3A_401] : memref<425984x32xf32, #tpu.memory_space<hbm>> -> memref<416x32xf32, #tpu.memory_space<hbm>>
    tpu.enqueue_dma source(%arg8 : memref<416x32xf32, #tpu.memory_space<vmem>>) target(%dma_start3A_402 : memref<416x32xf32, #tpu.memory_space<hbm>>) target_semaphore(%arg24 : memref<!tpu.dma_semaphore, #tpu.memory_space<semaphore_mem>>)
    %dma_wait3A_403 = arith.constant 0 : i32
    %dma_wait3A_404 = tpu.memref_slice %arg4[%add3A_378, %dma_wait3A_403] : memref<425984x32xf32, #tpu.memory_space<hbm>> -> memref<416x32xf32, #tpu.memory_space<hbm>>
    %dma_wait3A_405 = arith.constant 0 : i32
    %dma_wait3A_406 = tpu.memref_slice %arg4[%add3A_378, %dma_wait3A_405] : memref<425984x32xf32, #tpu.memory_space<hbm>> -> memref<416x32xf32, #tpu.memory_space<hbm>>
    tpu.wait_dma2 semaphore(%arg23 : memref<!tpu.dma_semaphore, #tpu.memory_space<semaphore_mem>>) src(%arg7 : memref<416x32xf32, #tpu.memory_space<vmem>>) dst(%dma_wait3A_406 : memref<416x32xf32, #tpu.memory_space<hbm>>)
    %dma_start3A_407 = arith.constant 10400 : i32
    %dma_start3A_408 = tpu.memref_slice %arg5[%dma_start3A_407] : memref<13312xi32, #tpu.memory_space<vmem>> -> memref<416xi32, #tpu.memory_space<vmem>>
    %dma_start3A_409 = arith.constant 0 : i32
    %dma_start3A_410 = arith.constant 0 : i32
    %dma_start3A_411 = tpu.memref_slice %arg3[%dma_start3A_409, %dma_start3A_410] : memref<1000000x32xf32, #tpu.memory_space<hbm>> -> memref<1000000x32xf32, #tpu.memory_space<hbm>>
    tpu.enqueue_indirect_dma source(%dma_start3A_411 : memref<1000000x32xf32, #tpu.memory_space<hbm>>) target(%arg7 : memref<416x32xf32, #tpu.memory_space<vmem>>) offsets(%dma_start3A_408 : memref<416xi32, #tpu.memory_space<vmem>>) semaphore(%arg15 : memref<!tpu.dma_semaphore, #tpu.memory_space<semaphore_mem>>)
    %dma_wait3A_412 = arith.constant 7904 : i32
    %dma_wait3A_413 = tpu.memref_slice %arg5[%dma_wait3A_412] : memref<13312xi32, #tpu.memory_space<vmem>> -> memref<416xi32, #tpu.memory_space<vmem>>
    %dma_wait3A_414 = arith.constant 0 : i32
    %dma_wait3A_415 = arith.constant 0 : i32
    %dma_wait3A_416 = tpu.memref_slice %arg3[%dma_wait3A_414, %dma_wait3A_415] : memref<1000000x32xf32, #tpu.memory_space<hbm>> -> memref<1000000x32xf32, #tpu.memory_space<hbm>>
    tpu.wait_indirect_dma semaphore(%arg17 : memref<!tpu.dma_semaphore, #tpu.memory_space<semaphore_mem>>) src(%dma_wait3A_416 : memref<1000000x32xf32, #tpu.memory_space<hbm>>) dst(%arg9 : memref<416x32xf32, #tpu.memory_space<vmem>>)
    %add3A_417 = arith.constant 7904 : i32
    %add3A_418 = arith.addi %mul3A_2, %add3A_417 : i32
    %dma_start3A_419 = arith.constant 0 : i32
    %dma_start3A_420 = tpu.memref_slice %arg4[%add3A_418, %dma_start3A_419] : memref<425984x32xf32, #tpu.memory_space<hbm>> -> memref<416x32xf32, #tpu.memory_space<hbm>>
    %dma_start3A_421 = arith.constant 0 : i32
    %dma_start3A_422 = tpu.memref_slice %arg4[%add3A_418, %dma_start3A_421] : memref<425984x32xf32, #tpu.memory_space<hbm>> -> memref<416x32xf32, #tpu.memory_space<hbm>>
    tpu.enqueue_dma source(%arg9 : memref<416x32xf32, #tpu.memory_space<vmem>>) target(%dma_start3A_422 : memref<416x32xf32, #tpu.memory_space<hbm>>) target_semaphore(%arg25 : memref<!tpu.dma_semaphore, #tpu.memory_space<semaphore_mem>>)
    %dma_wait3A_423 = arith.constant 0 : i32
    %dma_wait3A_424 = tpu.memref_slice %arg4[%add3A_398, %dma_wait3A_423] : memref<425984x32xf32, #tpu.memory_space<hbm>> -> memref<416x32xf32, #tpu.memory_space<hbm>>
    %dma_wait3A_425 = arith.constant 0 : i32
    %dma_wait3A_426 = tpu.memref_slice %arg4[%add3A_398, %dma_wait3A_425] : memref<425984x32xf32, #tpu.memory_space<hbm>> -> memref<416x32xf32, #tpu.memory_space<hbm>>
    tpu.wait_dma2 semaphore(%arg24 : memref<!tpu.dma_semaphore, #tpu.memory_space<semaphore_mem>>) src(%arg8 : memref<416x32xf32, #tpu.memory_space<vmem>>) dst(%dma_wait3A_426 : memref<416x32xf32, #tpu.memory_space<hbm>>)
    %dma_start3A_427 = arith.constant 10816 : i32
    %dma_start3A_428 = tpu.memref_slice %arg5[%dma_start3A_427] : memref<13312xi32, #tpu.memory_space<vmem>> -> memref<416xi32, #tpu.memory_space<vmem>>
    %dma_start3A_429 = arith.constant 0 : i32
    %dma_start3A_430 = arith.constant 0 : i32
    %dma_start3A_431 = tpu.memref_slice %arg3[%dma_start3A_429, %dma_start3A_430] : memref<1000000x32xf32, #tpu.memory_space<hbm>> -> memref<1000000x32xf32, #tpu.memory_space<hbm>>
    tpu.enqueue_indirect_dma source(%dma_start3A_431 : memref<1000000x32xf32, #tpu.memory_space<hbm>>) target(%arg8 : memref<416x32xf32, #tpu.memory_space<vmem>>) offsets(%dma_start3A_428 : memref<416xi32, #tpu.memory_space<vmem>>) semaphore(%arg16 : memref<!tpu.dma_semaphore, #tpu.memory_space<semaphore_mem>>)
    %dma_wait3A_432 = arith.constant 8320 : i32
    %dma_wait3A_433 = tpu.memref_slice %arg5[%dma_wait3A_432] : memref<13312xi32, #tpu.memory_space<vmem>> -> memref<416xi32, #tpu.memory_space<vmem>>
    %dma_wait3A_434 = arith.constant 0 : i32
    %dma_wait3A_435 = arith.constant 0 : i32
    %dma_wait3A_436 = tpu.memref_slice %arg3[%dma_wait3A_434, %dma_wait3A_435] : memref<1000000x32xf32, #tpu.memory_space<hbm>> -> memref<1000000x32xf32, #tpu.memory_space<hbm>>
    tpu.wait_indirect_dma semaphore(%arg18 : memref<!tpu.dma_semaphore, #tpu.memory_space<semaphore_mem>>) src(%dma_wait3A_436 : memref<1000000x32xf32, #tpu.memory_space<hbm>>) dst(%arg10 : memref<416x32xf32, #tpu.memory_space<vmem>>)
    %add3A_437 = arith.constant 8320 : i32
    %add3A_438 = arith.addi %mul3A_2, %add3A_437 : i32
    %dma_start3A_439 = arith.constant 0 : i32
    %dma_start3A_440 = tpu.memref_slice %arg4[%add3A_438, %dma_start3A_439] : memref<425984x32xf32, #tpu.memory_space<hbm>> -> memref<416x32xf32, #tpu.memory_space<hbm>>
    %dma_start3A_441 = arith.constant 0 : i32
    %dma_start3A_442 = tpu.memref_slice %arg4[%add3A_438, %dma_start3A_441] : memref<425984x32xf32, #tpu.memory_space<hbm>> -> memref<416x32xf32, #tpu.memory_space<hbm>>
    tpu.enqueue_dma source(%arg10 : memref<416x32xf32, #tpu.memory_space<vmem>>) target(%dma_start3A_442 : memref<416x32xf32, #tpu.memory_space<hbm>>) target_semaphore(%arg26 : memref<!tpu.dma_semaphore, #tpu.memory_space<semaphore_mem>>)
    %dma_wait3A_443 = arith.constant 0 : i32
    %dma_wait3A_444 = tpu.memref_slice %arg4[%add3A_418, %dma_wait3A_443] : memref<425984x32xf32, #tpu.memory_space<hbm>> -> memref<416x32xf32, #tpu.memory_space<hbm>>
    %dma_wait3A_445 = arith.constant 0 : i32
    %dma_wait3A_446 = tpu.memref_slice %arg4[%add3A_418, %dma_wait3A_445] : memref<425984x32xf32, #tpu.memory_space<hbm>> -> memref<416x32xf32, #tpu.memory_space<hbm>>
    tpu.wait_dma2 semaphore(%arg25 : memref<!tpu.dma_semaphore, #tpu.memory_space<semaphore_mem>>) src(%arg9 : memref<416x32xf32, #tpu.memory_space<vmem>>) dst(%dma_wait3A_446 : memref<416x32xf32, #tpu.memory_space<hbm>>)
    %dma_start3A_447 = arith.constant 11232 : i32
    %dma_start3A_448 = tpu.memref_slice %arg5[%dma_start3A_447] : memref<13312xi32, #tpu.memory_space<vmem>> -> memref<416xi32, #tpu.memory_space<vmem>>
    %dma_start3A_449 = arith.constant 0 : i32
    %dma_start3A_450 = arith.constant 0 : i32
    %dma_start3A_451 = tpu.memref_slice %arg3[%dma_start3A_449, %dma_start3A_450] : memref<1000000x32xf32, #tpu.memory_space<hbm>> -> memref<1000000x32xf32, #tpu.memory_space<hbm>>
    tpu.enqueue_indirect_dma source(%dma_start3A_451 : memref<1000000x32xf32, #tpu.memory_space<hbm>>) target(%arg9 : memref<416x32xf32, #tpu.memory_space<vmem>>) offsets(%dma_start3A_448 : memref<416xi32, #tpu.memory_space<vmem>>) semaphore(%arg17 : memref<!tpu.dma_semaphore, #tpu.memory_space<semaphore_mem>>)
    %dma_wait3A_452 = arith.constant 8736 : i32
    %dma_wait3A_453 = tpu.memref_slice %arg5[%dma_wait3A_452] : memref<13312xi32, #tpu.memory_space<vmem>> -> memref<416xi32, #tpu.memory_space<vmem>>
    %dma_wait3A_454 = arith.constant 0 : i32
    %dma_wait3A_455 = arith.constant 0 : i32
    %dma_wait3A_456 = tpu.memref_slice %arg3[%dma_wait3A_454, %dma_wait3A_455] : memref<1000000x32xf32, #tpu.memory_space<hbm>> -> memref<1000000x32xf32, #tpu.memory_space<hbm>>
    tpu.wait_indirect_dma semaphore(%arg19 : memref<!tpu.dma_semaphore, #tpu.memory_space<semaphore_mem>>) src(%dma_wait3A_456 : memref<1000000x32xf32, #tpu.memory_space<hbm>>) dst(%arg11 : memref<416x32xf32, #tpu.memory_space<vmem>>)
    %add3A_457 = arith.constant 8736 : i32
    %add3A_458 = arith.addi %mul3A_2, %add3A_457 : i32
    %dma_start3A_459 = arith.constant 0 : i32
    %dma_start3A_460 = tpu.memref_slice %arg4[%add3A_458, %dma_start3A_459] : memref<425984x32xf32, #tpu.memory_space<hbm>> -> memref<416x32xf32, #tpu.memory_space<hbm>>
    %dma_start3A_461 = arith.constant 0 : i32
    %dma_start3A_462 = tpu.memref_slice %arg4[%add3A_458, %dma_start3A_461] : memref<425984x32xf32, #tpu.memory_space<hbm>> -> memref<416x32xf32, #tpu.memory_space<hbm>>
    tpu.enqueue_dma source(%arg11 : memref<416x32xf32, #tpu.memory_space<vmem>>) target(%dma_start3A_462 : memref<416x32xf32, #tpu.memory_space<hbm>>) target_semaphore(%arg27 : memref<!tpu.dma_semaphore, #tpu.memory_space<semaphore_mem>>)
    %dma_wait3A_463 = arith.constant 0 : i32
    %dma_wait3A_464 = tpu.memref_slice %arg4[%add3A_438, %dma_wait3A_463] : memref<425984x32xf32, #tpu.memory_space<hbm>> -> memref<416x32xf32, #tpu.memory_space<hbm>>
    %dma_wait3A_465 = arith.constant 0 : i32
    %dma_wait3A_466 = tpu.memref_slice %arg4[%add3A_438, %dma_wait3A_465] : memref<425984x32xf32, #tpu.memory_space<hbm>> -> memref<416x32xf32, #tpu.memory_space<hbm>>
    tpu.wait_dma2 semaphore(%arg26 : memref<!tpu.dma_semaphore, #tpu.memory_space<semaphore_mem>>) src(%arg10 : memref<416x32xf32, #tpu.memory_space<vmem>>) dst(%dma_wait3A_466 : memref<416x32xf32, #tpu.memory_space<hbm>>)
    %dma_start3A_467 = arith.constant 11648 : i32
    %dma_start3A_468 = tpu.memref_slice %arg5[%dma_start3A_467] : memref<13312xi32, #tpu.memory_space<vmem>> -> memref<416xi32, #tpu.memory_space<vmem>>
    %dma_start3A_469 = arith.constant 0 : i32
    %dma_start3A_470 = arith.constant 0 : i32
    %dma_start3A_471 = tpu.memref_slice %arg3[%dma_start3A_469, %dma_start3A_470] : memref<1000000x32xf32, #tpu.memory_space<hbm>> -> memref<1000000x32xf32, #tpu.memory_space<hbm>>
    tpu.enqueue_indirect_dma source(%dma_start3A_471 : memref<1000000x32xf32, #tpu.memory_space<hbm>>) target(%arg10 : memref<416x32xf32, #tpu.memory_space<vmem>>) offsets(%dma_start3A_468 : memref<416xi32, #tpu.memory_space<vmem>>) semaphore(%arg18 : memref<!tpu.dma_semaphore, #tpu.memory_space<semaphore_mem>>)
    %dma_wait3A_472 = arith.constant 9152 : i32
    %dma_wait3A_473 = tpu.memref_slice %arg5[%dma_wait3A_472] : memref<13312xi32, #tpu.memory_space<vmem>> -> memref<416xi32, #tpu.memory_space<vmem>>
    %dma_wait3A_474 = arith.constant 0 : i32
    %dma_wait3A_475 = arith.constant 0 : i32
    %dma_wait3A_476 = tpu.memref_slice %arg3[%dma_wait3A_474, %dma_wait3A_475] : memref<1000000x32xf32, #tpu.memory_space<hbm>> -> memref<1000000x32xf32, #tpu.memory_space<hbm>>
    tpu.wait_indirect_dma semaphore(%arg20 : memref<!tpu.dma_semaphore, #tpu.memory_space<semaphore_mem>>) src(%dma_wait3A_476 : memref<1000000x32xf32, #tpu.memory_space<hbm>>) dst(%arg12 : memref<416x32xf32, #tpu.memory_space<vmem>>)
    %add3A_477 = arith.constant 9152 : i32
    %add3A_478 = arith.addi %mul3A_2, %add3A_477 : i32
    %dma_start3A_479 = arith.constant 0 : i32
    %dma_start3A_480 = tpu.memref_slice %arg4[%add3A_478, %dma_start3A_479] : memref<425984x32xf32, #tpu.memory_space<hbm>> -> memref<416x32xf32, #tpu.memory_space<hbm>>
    %dma_start3A_481 = arith.constant 0 : i32
    %dma_start3A_482 = tpu.memref_slice %arg4[%add3A_478, %dma_start3A_481] : memref<425984x32xf32, #tpu.memory_space<hbm>> -> memref<416x32xf32, #tpu.memory_space<hbm>>
    tpu.enqueue_dma source(%arg12 : memref<416x32xf32, #tpu.memory_space<vmem>>) target(%dma_start3A_482 : memref<416x32xf32, #tpu.memory_space<hbm>>) target_semaphore(%arg28 : memref<!tpu.dma_semaphore, #tpu.memory_space<semaphore_mem>>)
    %dma_wait3A_483 = arith.constant 0 : i32
    %dma_wait3A_484 = tpu.memref_slice %arg4[%add3A_458, %dma_wait3A_483] : memref<425984x32xf32, #tpu.memory_space<hbm>> -> memref<416x32xf32, #tpu.memory_space<hbm>>
    %dma_wait3A_485 = arith.constant 0 : i32
    %dma_wait3A_486 = tpu.memref_slice %arg4[%add3A_458, %dma_wait3A_485] : memref<425984x32xf32, #tpu.memory_space<hbm>> -> memref<416x32xf32, #tpu.memory_space<hbm>>
    tpu.wait_dma2 semaphore(%arg27 : memref<!tpu.dma_semaphore, #tpu.memory_space<semaphore_mem>>) src(%arg11 : memref<416x32xf32, #tpu.memory_space<vmem>>) dst(%dma_wait3A_486 : memref<416x32xf32, #tpu.memory_space<hbm>>)
    %dma_start3A_487 = arith.constant 12064 : i32
    %dma_start3A_488 = tpu.memref_slice %arg5[%dma_start3A_487] : memref<13312xi32, #tpu.memory_space<vmem>> -> memref<416xi32, #tpu.memory_space<vmem>>
    %dma_start3A_489 = arith.constant 0 : i32
    %dma_start3A_490 = arith.constant 0 : i32
    %dma_start3A_491 = tpu.memref_slice %arg3[%dma_start3A_489, %dma_start3A_490] : memref<1000000x32xf32, #tpu.memory_space<hbm>> -> memref<1000000x32xf32, #tpu.memory_space<hbm>>
    tpu.enqueue_indirect_dma source(%dma_start3A_491 : memref<1000000x32xf32, #tpu.memory_space<hbm>>) target(%arg11 : memref<416x32xf32, #tpu.memory_space<vmem>>) offsets(%dma_start3A_488 : memref<416xi32, #tpu.memory_space<vmem>>) semaphore(%arg19 : memref<!tpu.dma_semaphore, #tpu.memory_space<semaphore_mem>>)
    %dma_wait3A_492 = arith.constant 9568 : i32
    %dma_wait3A_493 = tpu.memref_slice %arg5[%dma_wait3A_492] : memref<13312xi32, #tpu.memory_space<vmem>> -> memref<416xi32, #tpu.memory_space<vmem>>
    %dma_wait3A_494 = arith.constant 0 : i32
    %dma_wait3A_495 = arith.constant 0 : i32
    %dma_wait3A_496 = tpu.memref_slice %arg3[%dma_wait3A_494, %dma_wait3A_495] : memref<1000000x32xf32, #tpu.memory_space<hbm>> -> memref<1000000x32xf32, #tpu.memory_space<hbm>>
    tpu.wait_indirect_dma semaphore(%arg21 : memref<!tpu.dma_semaphore, #tpu.memory_space<semaphore_mem>>) src(%dma_wait3A_496 : memref<1000000x32xf32, #tpu.memory_space<hbm>>) dst(%arg13 : memref<416x32xf32, #tpu.memory_space<vmem>>)
    %add3A_497 = arith.constant 9568 : i32
    %add3A_498 = arith.addi %mul3A_2, %add3A_497 : i32
    %dma_start3A_499 = arith.constant 0 : i32
    %dma_start3A_500 = tpu.memref_slice %arg4[%add3A_498, %dma_start3A_499] : memref<425984x32xf32, #tpu.memory_space<hbm>> -> memref<416x32xf32, #tpu.memory_space<hbm>>
    %dma_start3A_501 = arith.constant 0 : i32
    %dma_start3A_502 = tpu.memref_slice %arg4[%add3A_498, %dma_start3A_501] : memref<425984x32xf32, #tpu.memory_space<hbm>> -> memref<416x32xf32, #tpu.memory_space<hbm>>
    tpu.enqueue_dma source(%arg13 : memref<416x32xf32, #tpu.memory_space<vmem>>) target(%dma_start3A_502 : memref<416x32xf32, #tpu.memory_space<hbm>>) target_semaphore(%arg29 : memref<!tpu.dma_semaphore, #tpu.memory_space<semaphore_mem>>)
    %dma_wait3A_503 = arith.constant 0 : i32
    %dma_wait3A_504 = tpu.memref_slice %arg4[%add3A_478, %dma_wait3A_503] : memref<425984x32xf32, #tpu.memory_space<hbm>> -> memref<416x32xf32, #tpu.memory_space<hbm>>
    %dma_wait3A_505 = arith.constant 0 : i32
    %dma_wait3A_506 = tpu.memref_slice %arg4[%add3A_478, %dma_wait3A_505] : memref<425984x32xf32, #tpu.memory_space<hbm>> -> memref<416x32xf32, #tpu.memory_space<hbm>>
    tpu.wait_dma2 semaphore(%arg28 : memref<!tpu.dma_semaphore, #tpu.memory_space<semaphore_mem>>) src(%arg12 : memref<416x32xf32, #tpu.memory_space<vmem>>) dst(%dma_wait3A_506 : memref<416x32xf32, #tpu.memory_space<hbm>>)
    %dma_start3A_507 = arith.constant 12480 : i32
    %dma_start3A_508 = tpu.memref_slice %arg5[%dma_start3A_507] : memref<13312xi32, #tpu.memory_space<vmem>> -> memref<416xi32, #tpu.memory_space<vmem>>
    %dma_start3A_509 = arith.constant 0 : i32
    %dma_start3A_510 = arith.constant 0 : i32
    %dma_start3A_511 = tpu.memref_slice %arg3[%dma_start3A_509, %dma_start3A_510] : memref<1000000x32xf32, #tpu.memory_space<hbm>> -> memref<1000000x32xf32, #tpu.memory_space<hbm>>
    tpu.enqueue_indirect_dma source(%dma_start3A_511 : memref<1000000x32xf32, #tpu.memory_space<hbm>>) target(%arg12 : memref<416x32xf32, #tpu.memory_space<vmem>>) offsets(%dma_start3A_508 : memref<416xi32, #tpu.memory_space<vmem>>) semaphore(%arg20 : memref<!tpu.dma_semaphore, #tpu.memory_space<semaphore_mem>>)
    %dma_wait3A_512 = arith.constant 9984 : i32
    %dma_wait3A_513 = tpu.memref_slice %arg5[%dma_wait3A_512] : memref<13312xi32, #tpu.memory_space<vmem>> -> memref<416xi32, #tpu.memory_space<vmem>>
    %dma_wait3A_514 = arith.constant 0 : i32
    %dma_wait3A_515 = arith.constant 0 : i32
    %dma_wait3A_516 = tpu.memref_slice %arg3[%dma_wait3A_514, %dma_wait3A_515] : memref<1000000x32xf32, #tpu.memory_space<hbm>> -> memref<1000000x32xf32, #tpu.memory_space<hbm>>
    tpu.wait_indirect_dma semaphore(%arg14 : memref<!tpu.dma_semaphore, #tpu.memory_space<semaphore_mem>>) src(%dma_wait3A_516 : memref<1000000x32xf32, #tpu.memory_space<hbm>>) dst(%arg6 : memref<416x32xf32, #tpu.memory_space<vmem>>)
    %add3A_517 = arith.constant 9984 : i32
    %add3A_518 = arith.addi %mul3A_2, %add3A_517 : i32
    %dma_start3A_519 = arith.constant 0 : i32
    %dma_start3A_520 = tpu.memref_slice %arg4[%add3A_518, %dma_start3A_519] : memref<425984x32xf32, #tpu.memory_space<hbm>> -> memref<416x32xf32, #tpu.memory_space<hbm>>
    %dma_start3A_521 = arith.constant 0 : i32
    %dma_start3A_522 = tpu.memref_slice %arg4[%add3A_518, %dma_start3A_521] : memref<425984x32xf32, #tpu.memory_space<hbm>> -> memref<416x32xf32, #tpu.memory_space<hbm>>
    tpu.enqueue_dma source(%arg6 : memref<416x32xf32, #tpu.memory_space<vmem>>) target(%dma_start3A_522 : memref<416x32xf32, #tpu.memory_space<hbm>>) target_semaphore(%arg22 : memref<!tpu.dma_semaphore, #tpu.memory_space<semaphore_mem>>)
    %dma_wait3A_523 = arith.constant 0 : i32
    %dma_wait3A_524 = tpu.memref_slice %arg4[%add3A_498, %dma_wait3A_523] : memref<425984x32xf32, #tpu.memory_space<hbm>> -> memref<416x32xf32, #tpu.memory_space<hbm>>
    %dma_wait3A_525 = arith.constant 0 : i32
    %dma_wait3A_526 = tpu.memref_slice %arg4[%add3A_498, %dma_wait3A_525] : memref<425984x32xf32, #tpu.memory_space<hbm>> -> memref<416x32xf32, #tpu.memory_space<hbm>>
    tpu.wait_dma2 semaphore(%arg29 : memref<!tpu.dma_semaphore, #tpu.memory_space<semaphore_mem>>) src(%arg13 : memref<416x32xf32, #tpu.memory_space<vmem>>) dst(%dma_wait3A_526 : memref<416x32xf32, #tpu.memory_space<hbm>>)
    %dma_start3A_527 = arith.constant 12896 : i32
    %dma_start3A_528 = tpu.memref_slice %arg5[%dma_start3A_527] : memref<13312xi32, #tpu.memory_space<vmem>> -> memref<416xi32, #tpu.memory_space<vmem>>
    %dma_start3A_529 = arith.constant 0 : i32
    %dma_start3A_530 = arith.constant 0 : i32
    %dma_start3A_531 = tpu.memref_slice %arg3[%dma_start3A_529, %dma_start3A_530] : memref<1000000x32xf32, #tpu.memory_space<hbm>> -> memref<1000000x32xf32, #tpu.memory_space<hbm>>
    tpu.enqueue_indirect_dma source(%dma_start3A_531 : memref<1000000x32xf32, #tpu.memory_space<hbm>>) target(%arg13 : memref<416x32xf32, #tpu.memory_space<vmem>>) offsets(%dma_start3A_528 : memref<416xi32, #tpu.memory_space<vmem>>) semaphore(%arg21 : memref<!tpu.dma_semaphore, #tpu.memory_space<semaphore_mem>>)
    %dma_wait3A_532 = arith.constant 10400 : i32
    %dma_wait3A_533 = tpu.memref_slice %arg5[%dma_wait3A_532] : memref<13312xi32, #tpu.memory_space<vmem>> -> memref<416xi32, #tpu.memory_space<vmem>>
    %dma_wait3A_534 = arith.constant 0 : i32
    %dma_wait3A_535 = arith.constant 0 : i32
    %dma_wait3A_536 = tpu.memref_slice %arg3[%dma_wait3A_534, %dma_wait3A_535] : memref<1000000x32xf32, #tpu.memory_space<hbm>> -> memref<1000000x32xf32, #tpu.memory_space<hbm>>
    tpu.wait_indirect_dma semaphore(%arg15 : memref<!tpu.dma_semaphore, #tpu.memory_space<semaphore_mem>>) src(%dma_wait3A_536 : memref<1000000x32xf32, #tpu.memory_space<hbm>>) dst(%arg7 : memref<416x32xf32, #tpu.memory_space<vmem>>)
    %add3A_537 = arith.constant 10400 : i32
    %add3A_538 = arith.addi %mul3A_2, %add3A_537 : i32
    %dma_start3A_539 = arith.constant 0 : i32
    %dma_start3A_540 = tpu.memref_slice %arg4[%add3A_538, %dma_start3A_539] : memref<425984x32xf32, #tpu.memory_space<hbm>> -> memref<416x32xf32, #tpu.memory_space<hbm>>
    %dma_start3A_541 = arith.constant 0 : i32
    %dma_start3A_542 = tpu.memref_slice %arg4[%add3A_538, %dma_start3A_541] : memref<425984x32xf32, #tpu.memory_space<hbm>> -> memref<416x32xf32, #tpu.memory_space<hbm>>
    tpu.enqueue_dma source(%arg7 : memref<416x32xf32, #tpu.memory_space<vmem>>) target(%dma_start3A_542 : memref<416x32xf32, #tpu.memory_space<hbm>>) target_semaphore(%arg23 : memref<!tpu.dma_semaphore, #tpu.memory_space<semaphore_mem>>)
    %dma_wait3A_543 = arith.constant 10816 : i32
    %dma_wait3A_544 = tpu.memref_slice %arg5[%dma_wait3A_543] : memref<13312xi32, #tpu.memory_space<vmem>> -> memref<416xi32, #tpu.memory_space<vmem>>
    %dma_wait3A_545 = arith.constant 0 : i32
    %dma_wait3A_546 = arith.constant 0 : i32
    %dma_wait3A_547 = tpu.memref_slice %arg3[%dma_wait3A_545, %dma_wait3A_546] : memref<1000000x32xf32, #tpu.memory_space<hbm>> -> memref<1000000x32xf32, #tpu.memory_space<hbm>>
    tpu.wait_indirect_dma semaphore(%arg16 : memref<!tpu.dma_semaphore, #tpu.memory_space<semaphore_mem>>) src(%dma_wait3A_547 : memref<1000000x32xf32, #tpu.memory_space<hbm>>) dst(%arg8 : memref<416x32xf32, #tpu.memory_space<vmem>>)
    %add3A_548 = arith.constant 10816 : i32
    %add3A_549 = arith.addi %mul3A_2, %add3A_548 : i32
    %dma_start3A_550 = arith.constant 0 : i32
    %dma_start3A_551 = tpu.memref_slice %arg4[%add3A_549, %dma_start3A_550] : memref<425984x32xf32, #tpu.memory_space<hbm>> -> memref<416x32xf32, #tpu.memory_space<hbm>>
    %dma_start3A_552 = arith.constant 0 : i32
    %dma_start3A_553 = tpu.memref_slice %arg4[%add3A_549, %dma_start3A_552] : memref<425984x32xf32, #tpu.memory_space<hbm>> -> memref<416x32xf32, #tpu.memory_space<hbm>>
    tpu.enqueue_dma source(%arg8 : memref<416x32xf32, #tpu.memory_space<vmem>>) target(%dma_start3A_553 : memref<416x32xf32, #tpu.memory_space<hbm>>) target_semaphore(%arg24 : memref<!tpu.dma_semaphore, #tpu.memory_space<semaphore_mem>>)
    %dma_wait3A_554 = arith.constant 11232 : i32
    %dma_wait3A_555 = tpu.memref_slice %arg5[%dma_wait3A_554] : memref<13312xi32, #tpu.memory_space<vmem>> -> memref<416xi32, #tpu.memory_space<vmem>>
    %dma_wait3A_556 = arith.constant 0 : i32
    %dma_wait3A_557 = arith.constant 0 : i32
    %dma_wait3A_558 = tpu.memref_slice %arg3[%dma_wait3A_556, %dma_wait3A_557] : memref<1000000x32xf32, #tpu.memory_space<hbm>> -> memref<1000000x32xf32, #tpu.memory_space<hbm>>
    tpu.wait_indirect_dma semaphore(%arg17 : memref<!tpu.dma_semaphore, #tpu.memory_space<semaphore_mem>>) src(%dma_wait3A_558 : memref<1000000x32xf32, #tpu.memory_space<hbm>>) dst(%arg9 : memref<416x32xf32, #tpu.memory_space<vmem>>)
    %add3A_559 = arith.constant 11232 : i32
    %add3A_560 = arith.addi %mul3A_2, %add3A_559 : i32
    %dma_start3A_561 = arith.constant 0 : i32
    %dma_start3A_562 = tpu.memref_slice %arg4[%add3A_560, %dma_start3A_561] : memref<425984x32xf32, #tpu.memory_space<hbm>> -> memref<416x32xf32, #tpu.memory_space<hbm>>
    %dma_start3A_563 = arith.constant 0 : i32
    %dma_start3A_564 = tpu.memref_slice %arg4[%add3A_560, %dma_start3A_563] : memref<425984x32xf32, #tpu.memory_space<hbm>> -> memref<416x32xf32, #tpu.memory_space<hbm>>
    tpu.enqueue_dma source(%arg9 : memref<416x32xf32, #tpu.memory_space<vmem>>) target(%dma_start3A_564 : memref<416x32xf32, #tpu.memory_space<hbm>>) target_semaphore(%arg25 : memref<!tpu.dma_semaphore, #tpu.memory_space<semaphore_mem>>)
    %dma_wait3A_565 = arith.constant 11648 : i32
    %dma_wait3A_566 = tpu.memref_slice %arg5[%dma_wait3A_565] : memref<13312xi32, #tpu.memory_space<vmem>> -> memref<416xi32, #tpu.memory_space<vmem>>
    %dma_wait3A_567 = arith.constant 0 : i32
    %dma_wait3A_568 = arith.constant 0 : i32
    %dma_wait3A_569 = tpu.memref_slice %arg3[%dma_wait3A_567, %dma_wait3A_568] : memref<1000000x32xf32, #tpu.memory_space<hbm>> -> memref<1000000x32xf32, #tpu.memory_space<hbm>>
    tpu.wait_indirect_dma semaphore(%arg18 : memref<!tpu.dma_semaphore, #tpu.memory_space<semaphore_mem>>) src(%dma_wait3A_569 : memref<1000000x32xf32, #tpu.memory_space<hbm>>) dst(%arg10 : memref<416x32xf32, #tpu.memory_space<vmem>>)
    %add3A_570 = arith.constant 11648 : i32
    %add3A_571 = arith.addi %mul3A_2, %add3A_570 : i32
    %dma_start3A_572 = arith.constant 0 : i32
    %dma_start3A_573 = tpu.memref_slice %arg4[%add3A_571, %dma_start3A_572] : memref<425984x32xf32, #tpu.memory_space<hbm>> -> memref<416x32xf32, #tpu.memory_space<hbm>>
    %dma_start3A_574 = arith.constant 0 : i32
    %dma_start3A_575 = tpu.memref_slice %arg4[%add3A_571, %dma_start3A_574] : memref<425984x32xf32, #tpu.memory_space<hbm>> -> memref<416x32xf32, #tpu.memory_space<hbm>>
    tpu.enqueue_dma source(%arg10 : memref<416x32xf32, #tpu.memory_space<vmem>>) target(%dma_start3A_575 : memref<416x32xf32, #tpu.memory_space<hbm>>) target_semaphore(%arg26 : memref<!tpu.dma_semaphore, #tpu.memory_space<semaphore_mem>>)
    %dma_wait3A_576 = arith.constant 12064 : i32
    %dma_wait3A_577 = tpu.memref_slice %arg5[%dma_wait3A_576] : memref<13312xi32, #tpu.memory_space<vmem>> -> memref<416xi32, #tpu.memory_space<vmem>>
    %dma_wait3A_578 = arith.constant 0 : i32
    %dma_wait3A_579 = arith.constant 0 : i32
    %dma_wait3A_580 = tpu.memref_slice %arg3[%dma_wait3A_578, %dma_wait3A_579] : memref<1000000x32xf32, #tpu.memory_space<hbm>> -> memref<1000000x32xf32, #tpu.memory_space<hbm>>
    tpu.wait_indirect_dma semaphore(%arg19 : memref<!tpu.dma_semaphore, #tpu.memory_space<semaphore_mem>>) src(%dma_wait3A_580 : memref<1000000x32xf32, #tpu.memory_space<hbm>>) dst(%arg11 : memref<416x32xf32, #tpu.memory_space<vmem>>)
    %add3A_581 = arith.constant 12064 : i32
    %add3A_582 = arith.addi %mul3A_2, %add3A_581 : i32
    %dma_start3A_583 = arith.constant 0 : i32
    %dma_start3A_584 = tpu.memref_slice %arg4[%add3A_582, %dma_start3A_583] : memref<425984x32xf32, #tpu.memory_space<hbm>> -> memref<416x32xf32, #tpu.memory_space<hbm>>
    %dma_start3A_585 = arith.constant 0 : i32
    %dma_start3A_586 = tpu.memref_slice %arg4[%add3A_582, %dma_start3A_585] : memref<425984x32xf32, #tpu.memory_space<hbm>> -> memref<416x32xf32, #tpu.memory_space<hbm>>
    tpu.enqueue_dma source(%arg11 : memref<416x32xf32, #tpu.memory_space<vmem>>) target(%dma_start3A_586 : memref<416x32xf32, #tpu.memory_space<hbm>>) target_semaphore(%arg27 : memref<!tpu.dma_semaphore, #tpu.memory_space<semaphore_mem>>)
    %dma_wait3A_587 = arith.constant 12480 : i32
    %dma_wait3A_588 = tpu.memref_slice %arg5[%dma_wait3A_587] : memref<13312xi32, #tpu.memory_space<vmem>> -> memref<416xi32, #tpu.memory_space<vmem>>
    %dma_wait3A_589 = arith.constant 0 : i32
    %dma_wait3A_590 = arith.constant 0 : i32
    %dma_wait3A_591 = tpu.memref_slice %arg3[%dma_wait3A_589, %dma_wait3A_590] : memref<1000000x32xf32, #tpu.memory_space<hbm>> -> memref<1000000x32xf32, #tpu.memory_space<hbm>>
    tpu.wait_indirect_dma semaphore(%arg20 : memref<!tpu.dma_semaphore, #tpu.memory_space<semaphore_mem>>) src(%dma_wait3A_591 : memref<1000000x32xf32, #tpu.memory_space<hbm>>) dst(%arg12 : memref<416x32xf32, #tpu.memory_space<vmem>>)
    %add3A_592 = arith.constant 12480 : i32
    %add3A_593 = arith.addi %mul3A_2, %add3A_592 : i32
    %dma_start3A_594 = arith.constant 0 : i32
    %dma_start3A_595 = tpu.memref_slice %arg4[%add3A_593, %dma_start3A_594] : memref<425984x32xf32, #tpu.memory_space<hbm>> -> memref<416x32xf32, #tpu.memory_space<hbm>>
    %dma_start3A_596 = arith.constant 0 : i32
    %dma_start3A_597 = tpu.memref_slice %arg4[%add3A_593, %dma_start3A_596] : memref<425984x32xf32, #tpu.memory_space<hbm>> -> memref<416x32xf32, #tpu.memory_space<hbm>>
    tpu.enqueue_dma source(%arg12 : memref<416x32xf32, #tpu.memory_space<vmem>>) target(%dma_start3A_597 : memref<416x32xf32, #tpu.memory_space<hbm>>) target_semaphore(%arg28 : memref<!tpu.dma_semaphore, #tpu.memory_space<semaphore_mem>>)
    %dma_wait3A_598 = arith.constant 12896 : i32
    %dma_wait3A_599 = tpu.memref_slice %arg5[%dma_wait3A_598] : memref<13312xi32, #tpu.memory_space<vmem>> -> memref<416xi32, #tpu.memory_space<vmem>>
    %dma_wait3A_600 = arith.constant 0 : i32
    %dma_wait3A_601 = arith.constant 0 : i32
    %dma_wait3A_602 = tpu.memref_slice %arg3[%dma_wait3A_600, %dma_wait3A_601] : memref<1000000x32xf32, #tpu.memory_space<hbm>> -> memref<1000000x32xf32, #tpu.memory_space<hbm>>
    tpu.wait_indirect_dma semaphore(%arg21 : memref<!tpu.dma_semaphore, #tpu.memory_space<semaphore_mem>>) src(%dma_wait3A_602 : memref<1000000x32xf32, #tpu.memory_space<hbm>>) dst(%arg13 : memref<416x32xf32, #tpu.memory_space<vmem>>)
    %add3A_603 = arith.constant 12896 : i32
    %add3A_604 = arith.addi %mul3A_2, %add3A_603 : i32
    %dma_start3A_605 = arith.constant 0 : i32
    %dma_start3A_606 = tpu.memref_slice %arg4[%add3A_604, %dma_start3A_605] : memref<425984x32xf32, #tpu.memory_space<hbm>> -> memref<416x32xf32, #tpu.memory_space<hbm>>
    %dma_start3A_607 = arith.constant 0 : i32
    %dma_start3A_608 = tpu.memref_slice %arg4[%add3A_604, %dma_start3A_607] : memref<425984x32xf32, #tpu.memory_space<hbm>> -> memref<416x32xf32, #tpu.memory_space<hbm>>
    tpu.enqueue_dma source(%arg13 : memref<416x32xf32, #tpu.memory_space<vmem>>) target(%dma_start3A_608 : memref<416x32xf32, #tpu.memory_space<hbm>>) target_semaphore(%arg29 : memref<!tpu.dma_semaphore, #tpu.memory_space<semaphore_mem>>)
    %dma_wait3A_609 = arith.constant 0 : i32
    %dma_wait3A_610 = tpu.memref_slice %arg4[%add3A_518, %dma_wait3A_609] : memref<425984x32xf32, #tpu.memory_space<hbm>> -> memref<416x32xf32, #tpu.memory_space<hbm>>
    %dma_wait3A_611 = arith.constant 0 : i32
    %dma_wait3A_612 = tpu.memref_slice %arg4[%add3A_518, %dma_wait3A_611] : memref<425984x32xf32, #tpu.memory_space<hbm>> -> memref<416x32xf32, #tpu.memory_space<hbm>>
    tpu.wait_dma2 semaphore(%arg22 : memref<!tpu.dma_semaphore, #tpu.memory_space<semaphore_mem>>) src(%arg6 : memref<416x32xf32, #tpu.memory_space<vmem>>) dst(%dma_wait3A_612 : memref<416x32xf32, #tpu.memory_space<hbm>>)
    %dma_wait3A_613 = arith.constant 0 : i32
    %dma_wait3A_614 = tpu.memref_slice %arg4[%add3A_538, %dma_wait3A_613] : memref<425984x32xf32, #tpu.memory_space<hbm>> -> memref<416x32xf32, #tpu.memory_space<hbm>>
    %dma_wait3A_615 = arith.constant 0 : i32
    %dma_wait3A_616 = tpu.memref_slice %arg4[%add3A_538, %dma_wait3A_615] : memref<425984x32xf32, #tpu.memory_space<hbm>> -> memref<416x32xf32, #tpu.memory_space<hbm>>
    tpu.wait_dma2 semaphore(%arg23 : memref<!tpu.dma_semaphore, #tpu.memory_space<semaphore_mem>>) src(%arg7 : memref<416x32xf32, #tpu.memory_space<vmem>>) dst(%dma_wait3A_616 : memref<416x32xf32, #tpu.memory_space<hbm>>)
    %dma_wait3A_617 = arith.constant 0 : i32
    %dma_wait3A_618 = tpu.memref_slice %arg4[%add3A_549, %dma_wait3A_617] : memref<425984x32xf32, #tpu.memory_space<hbm>> -> memref<416x32xf32, #tpu.memory_space<hbm>>
    %dma_wait3A_619 = arith.constant 0 : i32
    %dma_wait3A_620 = tpu.memref_slice %arg4[%add3A_549, %dma_wait3A_619] : memref<425984x32xf32, #tpu.memory_space<hbm>> -> memref<416x32xf32, #tpu.memory_space<hbm>>
    tpu.wait_dma2 semaphore(%arg24 : memref<!tpu.dma_semaphore, #tpu.memory_space<semaphore_mem>>) src(%arg8 : memref<416x32xf32, #tpu.memory_space<vmem>>) dst(%dma_wait3A_620 : memref<416x32xf32, #tpu.memory_space<hbm>>)
    %dma_wait3A_621 = arith.constant 0 : i32
    %dma_wait3A_622 = tpu.memref_slice %arg4[%add3A_560, %dma_wait3A_621] : memref<425984x32xf32, #tpu.memory_space<hbm>> -> memref<416x32xf32, #tpu.memory_space<hbm>>
    %dma_wait3A_623 = arith.constant 0 : i32
    %dma_wait3A_624 = tpu.memref_slice %arg4[%add3A_560, %dma_wait3A_623] : memref<425984x32xf32, #tpu.memory_space<hbm>> -> memref<416x32xf32, #tpu.memory_space<hbm>>
    tpu.wait_dma2 semaphore(%arg25 : memref<!tpu.dma_semaphore, #tpu.memory_space<semaphore_mem>>) src(%arg9 : memref<416x32xf32, #tpu.memory_space<vmem>>) dst(%dma_wait3A_624 : memref<416x32xf32, #tpu.memory_space<hbm>>)
    %dma_wait3A_625 = arith.constant 0 : i32
    %dma_wait3A_626 = tpu.memref_slice %arg4[%add3A_571, %dma_wait3A_625] : memref<425984x32xf32, #tpu.memory_space<hbm>> -> memref<416x32xf32, #tpu.memory_space<hbm>>
    %dma_wait3A_627 = arith.constant 0 : i32
    %dma_wait3A_628 = tpu.memref_slice %arg4[%add3A_571, %dma_wait3A_627] : memref<425984x32xf32, #tpu.memory_space<hbm>> -> memref<416x32xf32, #tpu.memory_space<hbm>>
    tpu.wait_dma2 semaphore(%arg26 : memref<!tpu.dma_semaphore, #tpu.memory_space<semaphore_mem>>) src(%arg10 : memref<416x32xf32, #tpu.memory_space<vmem>>) dst(%dma_wait3A_628 : memref<416x32xf32, #tpu.memory_space<hbm>>)
    %dma_wait3A_629 = arith.constant 0 : i32
    %dma_wait3A_630 = tpu.memref_slice %arg4[%add3A_582, %dma_wait3A_629] : memref<425984x32xf32, #tpu.memory_space<hbm>> -> memref<416x32xf32, #tpu.memory_space<hbm>>
    %dma_wait3A_631 = arith.constant 0 : i32
    %dma_wait3A_632 = tpu.memref_slice %arg4[%add3A_582, %dma_wait3A_631] : memref<425984x32xf32, #tpu.memory_space<hbm>> -> memref<416x32xf32, #tpu.memory_space<hbm>>
    tpu.wait_dma2 semaphore(%arg27 : memref<!tpu.dma_semaphore, #tpu.memory_space<semaphore_mem>>) src(%arg11 : memref<416x32xf32, #tpu.memory_space<vmem>>) dst(%dma_wait3A_632 : memref<416x32xf32, #tpu.memory_space<hbm>>)
    %dma_wait3A_633 = arith.constant 0 : i32
    %dma_wait3A_634 = tpu.memref_slice %arg4[%add3A_593, %dma_wait3A_633] : memref<425984x32xf32, #tpu.memory_space<hbm>> -> memref<416x32xf32, #tpu.memory_space<hbm>>
    %dma_wait3A_635 = arith.constant 0 : i32
    %dma_wait3A_636 = tpu.memref_slice %arg4[%add3A_593, %dma_wait3A_635] : memref<425984x32xf32, #tpu.memory_space<hbm>> -> memref<416x32xf32, #tpu.memory_space<hbm>>
    tpu.wait_dma2 semaphore(%arg28 : memref<!tpu.dma_semaphore, #tpu.memory_space<semaphore_mem>>) src(%arg12 : memref<416x32xf32, #tpu.memory_space<vmem>>) dst(%dma_wait3A_636 : memref<416x32xf32, #tpu.memory_space<hbm>>)
    %dma_wait3A_637 = arith.constant 0 : i32
    %dma_wait3A_638 = tpu.memref_slice %arg4[%add3A_604, %dma_wait3A_637] : memref<425984x32xf32, #tpu.memory_space<hbm>> -> memref<416x32xf32, #tpu.memory_space<hbm>>
    %dma_wait3A_639 = arith.constant 0 : i32
    %dma_wait3A_640 = tpu.memref_slice %arg4[%add3A_604, %dma_wait3A_639] : memref<425984x32xf32, #tpu.memory_space<hbm>> -> memref<416x32xf32, #tpu.memory_space<hbm>>
    tpu.wait_dma2 semaphore(%arg29 : memref<!tpu.dma_semaphore, #tpu.memory_space<semaphore_mem>>) src(%arg13 : memref<416x32xf32, #tpu.memory_space<vmem>>) dst(%dma_wait3A_640 : memref<416x32xf32, #tpu.memory_space<hbm>>)
    return
  }
}

</mosaic_0001>

<sc_bundles>
// kernel: kernel.3.cloned.1.call-start
scs
__scs_entry_jumppad:
0x0: {  	(pc) =	sbr.rel $0x88, $3  }
0x1: {  	(tag) =	ssettag $0x0;
	lr =	simm.s32 $0x1  }
0x2: {  	[smem:$0x3F9F] =	sst lr;
	_ =	strace $0xD0000000  }
0x3: {  	_ = 	snop  }
0x4: {  	_ = 	snop  }
0x5: {  	_ = 	snop  }
0x6: {  	_ = 	snop  }
0x7: {  	_ = 	snop  }
__scs_overlays_trampoline_lowered:
0x8: {  	[smem:$0x3FAE] =	sst s0  }
0x9: {  	[smem:$0x3FAF] =	sst s1  }
0xa: {  	[smem:$0x3FB0] =	sst s2  }
0xb: {  	[smem:$0x3FB1] =	sst s3  }
0xc: {  	[smem:$0x3FB2] =	sst s4  }
0xd: {  	[smem:$0x3FB3] =	sst s5  }
0xe: {  	[smem:$0x3FB4] =	sst s6  }
0xf: {  	[smem:$0x3FB5] =	sst s7  }
0x10: {  	[smem:$0x3FB6] =	sst s8  }
0x11: {  	[smem:$0x3FB7] =	sst s9;
	s0 =	simm.s32 @!p0 $0x0  }
0x12: {  	s1 =	sld [smem:$0x3F9D];
	s0 =	simm.s32 @p0 $0x1  }
0x13: {  	[smem:$0x3FB8] =	sst s0;
	s0 =	simm.s32 @!p1 $0x0  }
0x14: {  	s2 =	sld [smem:$0x3F9C];
	s0 =	simm.s32 @p1 $0x1  }
0x15: {  	[smem:$0x3FB9] =	sst s0;
	s0 =	simm.s32 @!p2 $0x0  }
0x16: {  	s3 =	sld [smem:$0x3FDB];
	s0 =	simm.s32 @p2 $0x1  }
0x17: {  	s4 =	simm.s32 $0x1BF5;
	[smem:$0x3FBB] =	sst s0  }
0x18: {  	s0 =	sld [smem:$0x3F9E];
	_ =	swait.ge [sflag:s4], $0x0  }
0x19: {  	s7 =	sld [smem:$0x3F9F]  }
0x1a: {  	s8 =	sadd.s32 $0xFFFFE003, lr  }
0x1b: {  	s9 =	sadd.s32 $0xFFFFFEF7, lr;
	s5 =	simm.s32 $0xFFFFFFFF;
	p2 =	slt.u32 s8, $0xFFFFF086  }
0x1c: {  	p1 =	slt.u32 s9, $0xF7A;
	s5 =	simm.s32 @!p2 $0x0  }
0x1d: {  	s5 =	simm.s32 @p1 $0x1;
	p0 =	seq.s32 s7, s2  }
0x1e: {  	s7 =	smul.u32 @!p0 $0xF7A, s2;
	p2 =	seq.s32 @!p0 s5, $0x0  }
0x1f: {  	s9 =	smul.u32 $0xF7A, s1;
	s8 =	simm.s32 @!p0 $0x1BF5;
	p2 =	por !p2, p0  }
0x20: {  	[sflag:s8] =	ssyncset.s32 @!p0 $0xFFFFF086;
	s6 =	sadd.s32 @!p0 s3, s7;
	s7 =	simm.s32 @!p0 $0x108  }
0x21: {  	s3 =	sadd.s32 s3, s9;
	s6 =	sadd.s32 @!p0 $0x88, s6;
	s7 =	simm.s32 @p2 $0x1082  }
0x22: {  	[simem:s7], [sflag:s8] =	dma.local @!p0 [hbm:s6], $0xF7A  }
0x23: {  	s9 =	sor.u32 $0xD0000000, s2;
	s6 =	simm.s32 $0x108;
	_ =	swait.ge @!p0 [sflag:s8], $0x0  }
0x24: {  	s3 =	sadd.s32 $0x88, s3;
	s6 =	simm.s32 @!p1 $0x1082;
	[sflag:s4] =	ssyncset.s32 $0xFFFFF086  }
0x25: {  	[simem:s6], [sflag:s4] =	dma.local [hbm:s3], $0xF7A  }
0x26: {  	[smem:$0x3F9F] =	sst s1;
	(tag) =	ssettag s2;
	_ =	strace s9  }
0x27: {  	s1 =	sld [smem:$0x3FAF]  }
0x28: {  	s2 =	sld [smem:$0x3FB0]  }
0x29: {  	s4 =	sld [smem:$0x3FB2]  }
0x2a: {  	p0 =	seq.s32 s5, $0x0;
	s5 =	sld [smem:$0x3FB3]  }
0x2b: {  	s6 =	sld [smem:$0x3FB4]  }
0x2c: {  	s7 =	sld [smem:$0x3FB5]  }
0x2d: {  	s3 =	simm.s32 $0x108;
	s8 =	sld [smem:$0x3FB6]  }
0x2e: {  	s3 =	simm.s32 @!p0 $0x1082;
	s9 =	sld [smem:$0x3FB7]  }
0x2f: {  	lr =	sadd.s32 s0, s3;
	s0 =	sld [smem:$0x3FAE]  }
0x30: {  	s3 =	sld [smem:$0x3FB1]  }
0x31: {  	[smem:$0x3FBA] =	sst s10  }
0x32: {  	s10 =	sld [smem:$0x3FB8];
	_ =	sdelay $0x3  }
0x33: {  	p0 =	seq.s32 s10, $0x1;
	s10 =	sld [smem:$0x3FBA];
	_ =	sdelay $0x3  }
0x34: {  	[smem:$0x3FBA] =	sst s10  }
0x35: {  	s10 =	sld [smem:$0x3FB9];
	_ =	sdelay $0x3  }
0x36: {  	p1 =	seq.s32 s10, $0x1;
	s10 =	sld [smem:$0x3FBA];
	_ =	sdelay $0x3  }
0x37: {  	[smem:$0x3FBA] =	sst s10  }
0x38: {  	s10 =	sld [smem:$0x3FBB]  }
0x39: {  	_ = 	snop;
	(pc) =	sbr.ind lr, $3  }
0x3a: {  	_ = 	snop  }
0x3b: {  	_ = 	snop  }
0x3c: {  	p2 =	seq.s32 s10, $0x1;
	s10 =	sld [smem:$0x3FBA]  }
0x3d: {  	_ =	shalt  }
0x3e: {  	_ =	shalt  }
0x3f: {  	_ =	shalt  }
0x40: {  	_ =	shalt  }
0x41: {  	_ =	shalt  }
0x42: {  	_ =	shalt  }
0x43: {  	_ =	shalt  }
0x44: {  	_ =	shalt  }
0x45: {  	_ =	shalt  }
0x46: {  	_ =	shalt  }
0x47: {  	_ =	shalt  }
0x48: {  	_ =	shalt  }
0x49: {  	_ =	shalt  }
0x4a: {  	_ =	shalt  }
0x4b: {  	_ =	shalt  }
0x4c: {  	_ =	shalt  }
0x4d: {  	_ =	shalt  }
0x4e: {  	_ =	shalt  }
0x4f: {  	_ =	shalt  }
0x50: {  	_ =	shalt  }
0x51: {  	_ =	shalt  }
0x52: {  	_ =	shalt  }
0x53: {  	_ =	shalt  }
0x54: {  	_ =	shalt  }
0x55: {  	_ =	shalt  }
0x56: {  	_ =	shalt  }
0x57: {  	_ =	shalt  }
0x58: {  	_ =	shalt  }
0x59: {  	_ =	shalt  }
0x5a: {  	_ =	shalt  }
0x5b: {  	_ =	shalt  }
0x5c: {  	_ =	shalt  }
0x5d: {  	_ =	shalt  }
0x5e: {  	_ =	shalt  }
0x5f: {  	_ =	shalt  }
0x60: {  	_ =	shalt  }
0x61: {  	_ =	shalt  }
0x62: {  	_ =	shalt  }
0x63: {  	_ =	shalt  }
0x64: {  	_ =	shalt  }
0x65: {  	_ =	shalt  }
0x66: {  	_ =	shalt  }
0x67: {  	_ =	shalt  }
0x68: {  	_ =	shalt  }
0x69: {  	_ =	shalt  }
0x6a: {  	_ =	shalt  }
0x6b: {  	_ =	shalt  }
0x6c: {  	_ =	shalt  }
0x6d: {  	_ =	shalt  }
0x6e: {  	_ =	shalt  }
0x6f: {  	_ =	shalt  }
0x70: {  	_ =	shalt  }
0x71: {  	_ =	shalt  }
0x72: {  	_ =	shalt  }
0x73: {  	_ =	shalt  }
0x74: {  	_ =	shalt  }
0x75: {  	_ =	shalt  }
0x76: {  	_ =	shalt  }
0x77: {  	_ =	shalt  }
0x78: {  	_ =	shalt  }
0x79: {  	_ =	shalt  }
0x7a: {  	_ =	shalt  }
0x7b: {  	_ =	shalt  }
0x7c: {  	_ =	shalt  }
0x7d: {  	_ =	shalt  }
0x7e: {  	_ =	shalt  }
0x7f: {  	_ =	shalt  }
0x80: {  	_ =	shalt  }
0x81: {  	_ =	shalt  }
0x82: {  	_ =	shalt  }
0x83: {  	_ =	shalt  }
0x84: {  	_ =	shalt  }
0x85: {  	_ =	shalt  }
0x86: {  	_ =	shalt  }
0x87: {  	_ =	shalt  }
.Lfunc_end0:
.L_simem_size_0:
called_computation.1_lowered:
.L_overlay_start_0:
0x88: {  	s2 =	sld [smem:$0x3FD9]  }
0x89: {  	s3 =	sld [smem:$0x3FFE];
	_ =	sdelay $0x1  }
0x8a: {  	s1 =	srdreg.scid  }
0x8b: {  	s0 =	sand.u32 $0x1, s1  }
0x8c: {  	s17 =	sshll.u32 s0, $0xA;
	s2 =	sadd.s32 s3, s2  }
0x8d: {  	s2 =	sadd.s32 s2, s17  }
0x8e: {  	[smem:$0x3FC6] =	sst s2  }
0x8f: {  	_ = 	snop  }
0x90: {  	s2 =	sld [smem:$0x3FD0];
	(tm) =	ssettm $0x1  }
0x91: {  	s18 =	sld [smem:$0x3FFB];
	_ =	sdelay $0x3  }
0x92: {  	_ =	strace s18  }
0x93: {  	s3 =	sld [smem:$0x3FFC];
	_ =	sdelay $0x3  }
0x94: {  	_ =	strace s3  }
0x95: {  	s3 =	sld [smem:$0x3FFD];
	_ =	sdelay $0x3  }
0x96: {  	_ =	strace s3  }
0x97: {  	_ =	strace $0x8FFFFFFF  }
0x98: {  	s19 =	sld [smem:$0x3FDB];
	_ =	sdelay $0x1  }
0x99: {  	s4 =	simm.s32 $_scs_section_size  }
0x9a: {  	s5 =	simm.s32 $_size__tile_overlayer_lowered;
	s6 =	simm.s32 $_tile_overlayer_lowered  }
0x9b: {  	s22 =	simm.s32 $0x1BFF;
	s21 =	sshll.u32 s6, $0x1;
	s3 =	sadd.s32 s4, s19  }
0x9c: {  	s7 =	simm.s32 $0x0;
	s20 =	sshll.u32 s5, $0x1;
	s5 =	sadd.s32 s21, s3  }
0x9d: {  	[timem:s7], [sflag:s22] =	dma.local [hbm:s5], s20  }
0x9e: {  	_ =	swait.ge [sflag:s22], s20  }
0x9f: {  	s4 =	ssub.s32 $0x0, s20;
	[sflag:s22] =	ssyncset.done $0x0  }
0xa0: {  	[sflag:s22] =	ssyncadd.s32 s4;
	_ =	sdelay $0x1  }
0xa1: {  	s23 =	simm.s32 $0x1B8B  }
0xa2: {  	_ =	swait.ge [sflag:s23], $0x1  }
0xa3: {  	[sflag:s23] =	ssyncset.done $0x0  }
0xa4: {  	s25 =	simm.s32 $0x1B8E;
	s24 =	sld [smem:$0x3FFE];
	[sflag:s23] =	ssyncadd.s32 $0xFFFFFFFF  }
0xa5: {  	s26 =	simm.s32 $execute0_lowered;
	[smem:$0x3FD2] =	sst s25  }
0xa6: {  	s5 =	sshll.u32 s26, $0x1;
	_ =	strace $0x80000046;
	[dreg:$0x1] =	wrdreg $0xFFFFFFFF  }
0xa7: {  	s28 =	simm.s32 $_size_execute0_lowered;
	s3 =	sadd.s32 s3, s5;
	[dreg:$0x0] =	wrdreg $0x0  }
0xa8: {  	s5 =	sshll.u32 s28, $0x1;
	[dreg:$0x2] =	wrdreg s3  }
0xa9: {  	[dreg:$0x3] =	wrdreg s5  }
0xaa: {  	[dreg:$0x4] =	wrdreg $0xC0  }
0xab: {  	_ =	task [dreg:s7], $0x5FFFF  }
0xac: {  	[dreg:$0x1] =	wrdreg $0xFFFFFFFF  }
0xad: {  	[dreg:$0x0] =	wrdreg $0x60  }
0xae: {  	[dreg:$0x2] =	wrdreg s24  }
0xaf: {  	[dreg:$0x3] =	wrdreg s2  }
0xb0: {  	[dreg:$0x4] =	wrdreg $0x9  }
0xb1: {  	_ =	task.clear_ibuf [dreg:s7], $0x5FFFF;
	_ =	strace $0x90000046  }
0xb2: {  	s29 =	simm.s32 $0x9;
	_ =	strace $0x80000048  }
0xb3: {  	_ =	swait.ge [sflag:s29], $0x1  }
0xb4: {  	[sflag:s29] =	ssyncadd.s32 $0xFFFFFFFF  }
0xb5: {  	_ =	strace $0x90000048  }
0xb6: {  	_ =	sfence  }
0xb7: {  	s30 =	sld [smem:$0x0];
	_ =	sdelay $0x2  }
0xb8: {  	s31 =	sshll.u32 s1, $0xD;
	s1 =	sshrl.u32 s1, $0x2  }
0xb9: {  	s3 =	sand.u32 $0x4000, s31;
	s1 =	sadd.s32 s1, s30  }
0xba: {  	s0 =	sor.u32 s3, s0;
	s1 =	sshll.u32 s1, $0x11  }
0xbb: {  	s0 =	sor.u32 s1, s0  }
0xbc: {  	s0 =	sadd.s32 $0x8F2B, s0  }
0xbd: {  	[sflag:s0] =	ssyncadd.remote.s32 $0x1  }
0xbe: {  	_ =	sfence.sel $0xFFFF  }
0xbf: {  	[dreg:$0x0] =	wrdreg $0xFFFFFFFF;
	(pc) =	sbr.abs _section_cstart, $3  }
0xc0: {  	[dreg:$0x1] =	wrdreg $0xFFFFFFFF  }
0xc1: {  	_ =	task.clear_ibuf [dreg:s7], $0x2FFFF;
	_ =	strace $0x9FFFFFFF  }
0xc2: {  	(tm) =	ssettm $0x7FFFFFFF  }
0xc3: {  	_ =	shalt  }
tec
execute0_lowered:
.L_overlay_start_1:
0x0: {  	(tag) =	ssettag $0x1  }
0x1: {  	s0 =	srdreg.scid;
	s2 =	stileid.u32  }
0x2: {  	s1 =	sand.u32 $0x1, s0;
	s18 =	sshll.u32 s2, $0x1  }
0x3: {  	s0 =	sor.u32 s1, s18  }
0x4: {  	s3 =	rddreg [dreg:$0x0];
	s5 =	smul.u32 $0x680, s0  }
0x5: {  	s4 =	rddreg [dreg:$0x1];
	s2 =	simm.s32 $0x0;
	s6 =	smul.u32 $0xD000, s0  }
0x6: {  	[smem:$0x7FF] =	sst s2  }
0x7: {  	s0 =	smul.u32 $0x68000, s0;
	s5 =	sadd.s32 s5, s3;
	s6 =	sadd.s32 s4, s6  }
0x8: {  	_ =	strace $0x80000047;
	s5 =	sadd.s32 $0xA00, s5;
	[smem:$0x7DC] =	sst s6  }
0x9: {  	s0 =	sshrl.u32 s0, $0x3;
	s19 =	sadd.s32 $0x680, s6;
	[dreg:$0x3] =	wrdreg s5  }
0xa: {  	s20 =	sadd.s32 $0xD00, s6;
	s0 =	sadd.s32 s4, s0;
	[dreg:$0x4] =	wrdreg s19  }
0xb: {  	[dreg:$0x5] =	wrdreg s20;
	s4 =	sadd.s32 $0x1380, s0  }
0xc: {  	s21 =	sadd.s32 $0x1A00, s0;
	[dreg:$0x6] =	wrdreg s4  }
0xd: {  	s22 =	sadd.s32 $0x2080, s0;
	[dreg:$0x7] =	wrdreg s21  }
0xe: {  	s23 =	sadd.s32 $0x2700, s0;
	[dreg:$0x8] =	wrdreg s22  }
0xf: {  	s24 =	sadd.s32 $0x2D80, s0;
	[dreg:$0x9] =	wrdreg s23  }
0x10: {  	s25 =	sadd.s32 $0x3400, s0;
	[dreg:$0xa] =	wrdreg s24  }
0x11: {  	s26 =	sadd.s32 $0x3A80, s0;
	[dreg:$0xb] =	wrdreg s25  }
0x12: {  	s5 =	sadd.s32 $0x4100, s0;
	[dreg:$0xc] =	wrdreg s26  }
0x13: {  	s6 =	sadd.s32 $0x4780, s0;
	[dreg:$0xd] =	wrdreg s5  }
0x14: {  	s7 =	sadd.s32 $0x4E00, s0;
	[dreg:$0xe] =	wrdreg s6  }
0x15: {  	s8 =	sadd.s32 $0x5480, s0;
	[dreg:$0xf] =	wrdreg s7  }
0x16: {  	s9 =	sadd.s32 $0x5B00, s0;
	[dreg:$0x10] =	wrdreg s8  }
0x17: {  	s10 =	sadd.s32 $0x6180, s0;
	[dreg:$0x11] =	wrdreg s9  }
0x18: {  	s11 =	sadd.s32 $0x6800, s0;
	[dreg:$0x12] =	wrdreg s10  }
0x19: {  	s12 =	sadd.s32 $0x6E80, s0;
	[dreg:$0x13] =	wrdreg s11  }
0x1a: {  	s13 =	sadd.s32 $0x7500, s0;
	[dreg:$0x14] =	wrdreg s12  }
0x1b: {  	s14 =	sadd.s32 $0x7B80, s0;
	[dreg:$0x15] =	wrdreg s13  }
0x1c: {  	s15 =	sadd.s32 $0x8200, s0;
	[dreg:$0x16] =	wrdreg s14  }
0x1d: {  	s16 =	sadd.s32 $0x8880, s0;
	[dreg:$0x17] =	wrdreg s15  }
0x1e: {  	s17 =	sadd.s32 $0x8F00, s0;
	[dreg:$0x18] =	wrdreg s16  }
0x1f: {  	s18 =	sadd.s32 $0x9580, s0;
	[dreg:$0x19] =	wrdreg s17  }
0x20: {  	s19 =	sadd.s32 $0x9C00, s0;
	[dreg:$0x1a] =	wrdreg s18  }
0x21: {  	s20 =	sadd.s32 $0xA280, s0;
	[dreg:$0x1b] =	wrdreg s19  }
0x22: {  	[dreg:$0x1c] =	wrdreg s20;
	s21 =	sadd.s32 $0xA900, s0  }
0x23: {  	s22 =	sadd.s32 $0xAF80, s0;
	[dreg:$0x1d] =	wrdreg s21  }
0x24: {  	s23 =	sadd.s32 $0xB600, s0;
	[dreg:$0x1e] =	wrdreg s22  }
0x25: {  	s24 =	sadd.s32 $0xBC80, s0;
	[dreg:$0x1f] =	wrdreg s23  }
0x26: {  	s25 =	sadd.s32 $0xC300, s0;
	[smem:$0x7DD] =	sst s24  }
0x27: {  	s0 =	sadd.s32 $0xC980, s0;
	[smem:$0x7DE] =	sst s25  }
0x28: {  	s26 =	simm.s32 $0x340;
	[smem:$0x7DF] =	sst s0  }
0x29: {  	s4 =	simm.s32 $0x4E0;
	[smem:$0x7E0] =	sst s26  }
0x2a: {  	s5 =	simm.s32 $0x680;
	[smem:$0x7E1] =	sst s4  }
0x2b: {  	s6 =	simm.s32 $0x820;
	[smem:$0x7E2] =	sst s5  }
0x2c: {  	s7 =	simm.s32 $0x9C0;
	[smem:$0x7E3] =	sst s6  }
0x2d: {  	s31 =	simm.s32 $0x11;
	s8 =	simm.s32 $0xB60;
	[smem:$0x7E4] =	sst s7  }
0x2e: {  	s28 =	simm.s32 $0x6;
	s9 =	simm.s32 $0xD00;
	[smem:$0x7E5] =	sst s8  }
0x2f: {  	p0 =	por $0x0, $0x0;
	s10 =	simm.s32 $0xEA0;
	[smem:$0x7E6] =	sst s9  }
0x30: {  	s29 =	simm.s32 $0x7;
	s12 =	simm.s32 $0x1040;
	[smem:$0x7E7] =	sst s10  }
0x31: {  	s1 =	ssub.s32 $0x2, s1;
	s13 =	simm.s32 $0x11E0;
	[smem:$0x7E8] =	sst s12  }
0x32: {  	s3 =	sadd.s32 $0xF42E00, s3;
	s14 =	simm.s32 $0x1380;
	[smem:$0x7E9] =	sst s13  }
0x33: {  	s11 =	sshrl.u32 s1, $0x1;
	s15 =	simm.s32 $0x1520;
	[smem:$0x7EA] =	sst s14  }
0x34: {  	s16 =	simm.s32 $0x16C0;
	s18 =	simm.s32 $0x3400;
	[smem:$0x7EB] =	sst s15  }
0x35: {  	s17 =	simm.s32 $0x1860;
	s19 =	simm.s32 $0x1A00;
	[smem:$0x7EC] =	sst s16  }
0x36: {  	s20 =	simm.s32 $0x1BA0;
	s1 =	ssub.s32 s1, s11;
	[smem:$0x7ED] =	sst s17  }
0x37: {  	s12 =	simm.s32 $0x1A0;
	s13 =	simm.s32 $0x6800;
	[smem:$0x7EE] =	sst s19  }
0x38: {  	s11 =	simm.s32 $0x9C00;
	s9 =	simm.s32 $0xD000;
	[smem:$0x7EF] =	sst s20  }
0x39: {  	s21 =	simm.s32 $0x1D40;
	s7 =	simm.s32 $0x10400;
	s22 =	simm.s32 $0x1EE0  }
0x3a: {  	s6 =	simm.s32 $0x13800;
	s23 =	simm.s32 $0x2080;
	s0 =	rddreg [dreg:$0x3]  }
0x3b: {  	s4 =	simm.s32 $0x16C00;
	s24 =	simm.s32 $0x2220;
	[smem:$0x7F0] =	sst s21  }
0x3c: {  	s26 =	simm.s32 $0x1;
	s25 =	simm.s32 $0x23C0;
	[smem:$0x7F1] =	sst s22  }
0x3d: {  	s5 =	simm.s32 $0x1A000;
	s8 =	simm.s32 $0x2560;
	[smem:$0x7F2] =	sst s23  }
0x3e: {  	s10 =	simm.s32 $0x2700;
	s14 =	simm.s32 $0x28A0;
	[smem:$0x7F3] =	sst s24  }
0x3f: {  	s15 =	simm.s32 $0x2A40;
	s16 =	simm.s32 $0x2BE0;
	[smem:$0x7F4] =	sst s25  }
0x40: {  	s17 =	simm.s32 $0x2D80;
	s19 =	simm.s32 $0x2F20;
	[smem:$0x7F5] =	sst s8  }
0x41: {  	s20 =	simm.s32 $0x30C0;
	s1 =	smax.u32 s1, $0x1;
	[smem:$0x7F6] =	sst s10  }
0x42: {  	s21 =	simm.s32 $0x2;
	s8 =	simm.s32 $0x9;
	[smem:$0x7F7] =	sst s14  }
0x43: {  	s22 =	simm.s32 $0x3;
	s10 =	simm.s32 $0xA;
	[smem:$0x7F8] =	sst s15  }
0x44: {  	s23 =	simm.s32 $0x4;
	[smem:$0x7F9] =	sst s16;
	p1 =	sne.s32 s1, $0x1  }
.Ltmp0:
0x45: {  	s14 =	simm.s32 $0xB;
	[smem:$0x7FA] =	sst s17;
	(pc) =	sbr.rel @!p1 .LBB2_1-.Ltmp0, $4  }
0x46: {  	s25 =	simm.s32 $0x5;
	[smem:$0x7FB] =	sst s19;
	s15 =	simm.s32 $0xC  }
0x47: {  	[smem:$0x7FC] =	sst s20;
	s24 =	simm.s32 $0x3260;
	s20 =	simm.s32 $0xD  }
0x48: {  	s19 =	simm.s32 $0xE;
	s17 =	simm.s32 $0xF;
	s16 =	simm.s32 $0x10  }
0x49: {  	[smem:$0x7FD] =	sst s24;
	s30 =	sadd.s32 $0xFFFFFFFF, s1;
	s24 =	simm.s32 $0x8  }
0x4a: {  	[tilespmem:s2], [sflag:$0x11] =	stream.linear.gather [hbm4b:s0+s2], $0x3400, $0x38;
	[tilespmem:$0x1D400] =	vst v63  }
0x4b: {  	_ =	swait.ge [sflag:s31], $0x3400  }
0x4c: {  	[sflag:s31] =	ssyncset.done $0x0  }
0x4d: {  	[sflag:s31] =	ssyncadd.s32 $0xFFFFCC00  }
0x4e: {  	[tilespmem:s18], [sflag:$0x1] =	stream.indirect.gather [hbm4b:s3+s12], $0x20, s2, s12, $0xb8;
	[tilespmem:$0x1D400] =	vst v63  }
0x4f: {  	s0 =	sld [smem:$0x7E0]  }
0x50: {  	[tilespmem:s13], [sflag:$0x2] =	stream.indirect.gather [hbm4b:s3+s12], $0x20, s12, s12, $0xb8;
	[tilespmem:$0x1D400] =	vst v63  }
0x51: {  	s1 =	sld [smem:$0x7E1]  }
0x52: {  	[tilespmem:s11], [sflag:$0x3] =	stream.indirect.gather [hbm4b:s3+s12], $0x20, s0, s12, $0xb8;
	[tilespmem:$0x1D400] =	vst v63  }
0x53: {  	s0 =	sld [smem:$0x7E2]  }
0x54: {  	[tilespmem:s9], [sflag:$0x4] =	stream.indirect.gather [hbm4b:s3+s12], $0x20, s1, s12, $0xb8;
	[tilespmem:$0x1D400] =	vst v63  }
0x55: {  	s1 =	sld [smem:$0x7E3]  }
0x56: {  	[tilespmem:s7], [sflag:$0x5] =	stream.indirect.gather [hbm4b:s3+s12], $0x20, s0, s12, $0xb8;
	[tilespmem:$0x1D400] =	vst v63  }
0x57: {  	s0 =	sld [smem:$0x7E4]  }
0x58: {  	[tilespmem:s6], [sflag:$0x6] =	stream.indirect.gather [hbm4b:s3+s12], $0x20, s1, s12, $0xb8;
	[tilespmem:$0x1D400] =	vst v63  }
0x59: {  	_ = 	snop  }
0x5a: {  	[tilespmem:s4], [sflag:$0x7] =	stream.indirect.gather [hbm4b:s3+s12], $0x20, s0, s12, $0xb8;
	[tilespmem:$0x1D400] =	vst v63  }
0x5b: {  	_ =	swait.ge [sflag:s26], $0x3400  }
0x5c: {  	s1 =	sld [smem:$0x7DC]  }
0x5d: {  	[sflag:s26] =	ssyncset.done $0x0  }
0x5e: {  	s0 =	sld [smem:$0x7E5];
	[sflag:s26] =	ssyncadd.s32 $0xFFFFCC00  }
0x5f: {  	[hbm4b:s1+s2] =	stream.linear.scatter [tilespmem:s18], [sflag:$0x9], $0x3400, $0x38;
	[tilespmem:$0x1D400] =	vst v63  }
0x60: {  	_ = 	snop  }
0x61: {  	[tilespmem:s5], [sflag:$0x8] =	stream.indirect.gather [hbm4b:s3+s12], $0x20, s0, s12, $0xb8;
	[tilespmem:$0x1D400] =	vst v63  }
0x62: {  	_ =	swait.ge [sflag:s21], $0x3400  }
0x63: {  	[sflag:s21] =	ssyncset.done $0x0  }
0x64: {  	s1 =	rddreg [dreg:$0x4];
	[sflag:s21] =	ssyncadd.s32 $0xFFFFCC00  }
0x65: {  	[hbm4b:s1+s2] =	stream.linear.scatter [tilespmem:s13], [sflag:$0xA], $0x3400, $0x38;
	[tilespmem:$0x1D400] =	vst v63  }
0x66: {  	_ =	swait.ge [sflag:s8], $0x3400  }
0x67: {  	s1 =	sld [smem:$0x7E6]  }
0x68: {  	[sflag:s8] =	ssyncset.done $0x0  }
0x69: {  	[sflag:s8] =	ssyncadd.s32 $0xFFFFCC00  }
0x6a: {  	[tilespmem:s18], [sflag:$0x1] =	stream.indirect.gather [hbm4b:s3+s12], $0x20, s1, s12, $0xb8;
	[tilespmem:$0x1D400] =	vst v63  }
0x6b: {  	_ =	swait.ge [sflag:s22], $0x3400  }
0x6c: {  	[sflag:s22] =	ssyncset.done $0x0  }
0x6d: {  	s1 =	rddreg [dreg:$0x5];
	[sflag:s22] =	ssyncadd.s32 $0xFFFFCC00  }
0x6e: {  	[hbm4b:s1+s2] =	stream.linear.scatter [tilespmem:s11], [sflag:$0xB], $0x3400, $0x38;
	[tilespmem:$0x1D400] =	vst v63  }
0x6f: {  	_ =	swait.ge [sflag:s10], $0x3400  }
0x70: {  	s1 =	sld [smem:$0x7E7]  }
0x71: {  	[sflag:s10] =	ssyncset.done $0x0  }
0x72: {  	[sflag:s10] =	ssyncadd.s32 $0xFFFFCC00  }
0x73: {  	[tilespmem:s13], [sflag:$0x2] =	stream.indirect.gather [hbm4b:s3+s12], $0x20, s1, s12, $0xb8;
	[tilespmem:$0x1D400] =	vst v63  }
0x74: {  	_ =	swait.ge [sflag:s23], $0x3400  }
0x75: {  	[sflag:s23] =	ssyncset.done $0x0  }
0x76: {  	s1 =	rddreg [dreg:$0x6];
	[sflag:s23] =	ssyncadd.s32 $0xFFFFCC00  }
0x77: {  	[hbm4b:s1+s2] =	stream.linear.scatter [tilespmem:s9], [sflag:$0xC], $0x3400, $0x38;
	[tilespmem:$0x1D400] =	vst v63  }
0x78: {  	_ =	swait.ge [sflag:s14], $0x3400  }
0x79: {  	s1 =	sld [smem:$0x7E8]  }
0x7a: {  	[sflag:s14] =	ssyncset.done $0x0  }
0x7b: {  	[sflag:s14] =	ssyncadd.s32 $0xFFFFCC00  }
0x7c: {  	[tilespmem:s11], [sflag:$0x3] =	stream.indirect.gather [hbm4b:s3+s12], $0x20, s1, s12, $0xb8;
	[tilespmem:$0x1D400] =	vst v63  }
0x7d: {  	_ =	swait.ge [sflag:s25], $0x3400  }
0x7e: {  	[sflag:s25] =	ssyncset.done $0x0  }
0x7f: {  	s1 =	rddreg [dreg:$0x7];
	[sflag:s25] =	ssyncadd.s32 $0xFFFFCC00  }
0x80: {  	[hbm4b:s1+s2] =	stream.linear.scatter [tilespmem:s7], [sflag:$0xD], $0x3400, $0x38;
	[tilespmem:$0x1D400] =	vst v63  }
0x81: {  	_ =	swait.ge [sflag:s15], $0x3400  }
0x82: {  	s1 =	sld [smem:$0x7E9]  }
0x83: {  	[sflag:s15] =	ssyncset.done $0x0  }
0x84: {  	[sflag:s15] =	ssyncadd.s32 $0xFFFFCC00  }
0x85: {  	[tilespmem:s9], [sflag:$0x4] =	stream.indirect.gather [hbm4b:s3+s12], $0x20, s1, s12, $0xb8;
	[tilespmem:$0x1D400] =	vst v63  }
0x86: {  	_ =	swait.ge [sflag:s28], $0x3400  }
0x87: {  	[sflag:s28] =	ssyncset.done $0x0  }
0x88: {  	s1 =	rddreg [dreg:$0x8];
	[sflag:s28] =	ssyncadd.s32 $0xFFFFCC00  }
0x89: {  	[hbm4b:s1+s2] =	stream.linear.scatter [tilespmem:s6], [sflag:$0xE], $0x3400, $0x38;
	[tilespmem:$0x1D400] =	vst v63  }
0x8a: {  	_ =	swait.ge [sflag:s20], $0x3400  }
0x8b: {  	s1 =	sld [smem:$0x7EA]  }
0x8c: {  	[sflag:s20] =	ssyncset.done $0x0  }
0x8d: {  	[sflag:s20] =	ssyncadd.s32 $0xFFFFCC00  }
0x8e: {  	[tilespmem:s7], [sflag:$0x5] =	stream.indirect.gather [hbm4b:s3+s12], $0x20, s1, s12, $0xb8;
	[tilespmem:$0x1D400] =	vst v63  }
0x8f: {  	_ =	swait.ge [sflag:s29], $0x3400  }
0x90: {  	[sflag:s29] =	ssyncset.done $0x0  }
0x91: {  	s1 =	rddreg [dreg:$0x9];
	[sflag:s29] =	ssyncadd.s32 $0xFFFFCC00  }
0x92: {  	[hbm4b:s1+s2] =	stream.linear.scatter [tilespmem:s4], [sflag:$0xF], $0x3400, $0x38;
	[tilespmem:$0x1D400] =	vst v63  }
0x93: {  	_ =	swait.ge [sflag:s19], $0x3400  }
0x94: {  	s1 =	sld [smem:$0x7EB]  }
0x95: {  	[sflag:s19] =	ssyncset.done $0x0  }
0x96: {  	[sflag:s19] =	ssyncadd.s32 $0xFFFFCC00  }
0x97: {  	[tilespmem:s6], [sflag:$0x6] =	stream.indirect.gather [hbm4b:s3+s12], $0x20, s1, s12, $0xb8;
	[tilespmem:$0x1D400] =	vst v63  }
0x98: {  	_ =	swait.ge [sflag:s24], $0x3400  }
0x99: {  	[sflag:s24] =	ssyncset.done $0x0  }
0x9a: {  	s1 =	rddreg [dreg:$0xa];
	[sflag:s24] =	ssyncadd.s32 $0xFFFFCC00  }
0x9b: {  	[hbm4b:s1+s2] =	stream.linear.scatter [tilespmem:s5], [sflag:$0x10], $0x3400, $0x38;
	[tilespmem:$0x1D400] =	vst v63  }
0x9c: {  	_ =	swait.ge [sflag:s17], $0x3400  }
0x9d: {  	s1 =	sld [smem:$0x7EC]  }
0x9e: {  	[sflag:s17] =	ssyncset.done $0x0  }
0x9f: {  	[sflag:s17] =	ssyncadd.s32 $0xFFFFCC00  }
0xa0: {  	[tilespmem:s4], [sflag:$0x7] =	stream.indirect.gather [hbm4b:s3+s12], $0x20, s1, s12, $0xb8;
	[tilespmem:$0x1D400] =	vst v63  }
0xa1: {  	_ =	swait.ge [sflag:s26], $0x3400  }
0xa2: {  	[sflag:s26] =	ssyncset.done $0x0  }
0xa3: {  	s1 =	rddreg [dreg:$0xb];
	[sflag:s26] =	ssyncadd.s32 $0xFFFFCC00  }
0xa4: {  	[hbm4b:s1+s2] =	stream.linear.scatter [tilespmem:s18], [sflag:$0x9], $0x3400, $0x38;
	[tilespmem:$0x1D400] =	vst v63  }
0xa5: {  	_ =	swait.ge [sflag:s16], $0x3400  }
0xa6: {  	s1 =	sld [smem:$0x7ED]  }
0xa7: {  	[sflag:s16] =	ssyncset.done $0x0  }
0xa8: {  	[sflag:s16] =	ssyncadd.s32 $0xFFFFCC00  }
0xa9: {  	[tilespmem:s5], [sflag:$0x8] =	stream.indirect.gather [hbm4b:s3+s12], $0x20, s1, s12, $0xb8;
	[tilespmem:$0x1D400] =	vst v63  }
0xaa: {  	_ =	swait.ge [sflag:s21], $0x3400  }
0xab: {  	[sflag:s21] =	ssyncset.done $0x0  }
0xac: {  	s1 =	rddreg [dreg:$0xc];
	[sflag:s21] =	ssyncadd.s32 $0xFFFFCC00  }
0xad: {  	[hbm4b:s1+s2] =	stream.linear.scatter [tilespmem:s13], [sflag:$0xA], $0x3400, $0x38;
	[tilespmem:$0x1D400] =	vst v63  }
0xae: {  	_ =	swait.ge [sflag:s8], $0x3400  }
0xaf: {  	s1 =	sld [smem:$0x7EE]  }
0xb0: {  	[sflag:s8] =	ssyncset.done $0x0  }
0xb1: {  	[sflag:s8] =	ssyncadd.s32 $0xFFFFCC00  }
0xb2: {  	[tilespmem:s18], [sflag:$0x1] =	stream.indirect.gather [hbm4b:s3+s12], $0x20, s1, s12, $0xb8;
	[tilespmem:$0x1D400] =	vst v63  }
0xb3: {  	_ =	swait.ge [sflag:s22], $0x3400  }
0xb4: {  	[sflag:s22] =	ssyncset.done $0x0  }
0xb5: {  	s1 =	rddreg [dreg:$0xd];
	[sflag:s22] =	ssyncadd.s32 $0xFFFFCC00  }
0xb6: {  	[hbm4b:s1+s2] =	stream.linear.scatter [tilespmem:s11], [sflag:$0xB], $0x3400, $0x38;
	[tilespmem:$0x1D400] =	vst v63  }
0xb7: {  	_ =	swait.ge [sflag:s10], $0x3400  }
0xb8: {  	s1 =	sld [smem:$0x7EF]  }
0xb9: {  	[sflag:s10] =	ssyncset.done $0x0  }
0xba: {  	[sflag:s10] =	ssyncadd.s32 $0xFFFFCC00  }
0xbb: {  	[tilespmem:s13], [sflag:$0x2] =	stream.indirect.gather [hbm4b:s3+s12], $0x20, s1, s12, $0xb8;
	[tilespmem:$0x1D400] =	vst v63  }
0xbc: {  	_ =	swait.ge [sflag:s23], $0x3400  }
0xbd: {  	[sflag:s23] =	ssyncset.done $0x0  }
0xbe: {  	s1 =	rddreg [dreg:$0xe];
	[sflag:s23] =	ssyncadd.s32 $0xFFFFCC00  }
0xbf: {  	[hbm4b:s1+s2] =	stream.linear.scatter [tilespmem:s9], [sflag:$0xC], $0x3400, $0x38;
	[tilespmem:$0x1D400] =	vst v63  }
0xc0: {  	_ =	swait.ge [sflag:s14], $0x3400  }
0xc1: {  	s1 =	sld [smem:$0x7F0]  }
0xc2: {  	[sflag:s14] =	ssyncset.done $0x0  }
0xc3: {  	[sflag:s14] =	ssyncadd.s32 $0xFFFFCC00  }
0xc4: {  	[tilespmem:s11], [sflag:$0x3] =	stream.indirect.gather [hbm4b:s3+s12], $0x20, s1, s12, $0xb8;
	[tilespmem:$0x1D400] =	vst v63  }
0xc5: {  	_ =	swait.ge [sflag:s25], $0x3400  }
0xc6: {  	[sflag:s25] =	ssyncset.done $0x0  }
0xc7: {  	s1 =	rddreg [dreg:$0xf];
	[sflag:s25] =	ssyncadd.s32 $0xFFFFCC00  }
0xc8: {  	[hbm4b:s1+s2] =	stream.linear.scatter [tilespmem:s7], [sflag:$0xD], $0x3400, $0x38;
	[tilespmem:$0x1D400] =	vst v63  }
0xc9: {  	_ =	swait.ge [sflag:s15], $0x3400  }
0xca: {  	s1 =	sld [smem:$0x7F1]  }
0xcb: {  	[sflag:s15] =	ssyncset.done $0x0  }
0xcc: {  	[sflag:s15] =	ssyncadd.s32 $0xFFFFCC00  }
0xcd: {  	[tilespmem:s9], [sflag:$0x4] =	stream.indirect.gather [hbm4b:s3+s12], $0x20, s1, s12, $0xb8;
	[tilespmem:$0x1D400] =	vst v63  }
0xce: {  	_ =	swait.ge [sflag:s28], $0x3400  }
0xcf: {  	[sflag:s28] =	ssyncset.done $0x0  }
0xd0: {  	s1 =	rddreg [dreg:$0x10];
	[sflag:s28] =	ssyncadd.s32 $0xFFFFCC00  }
0xd1: {  	[hbm4b:s1+s2] =	stream.linear.scatter [tilespmem:s6], [sflag:$0xE], $0x3400, $0x38;
	[tilespmem:$0x1D400] =	vst v63  }
0xd2: {  	_ =	swait.ge [sflag:s20], $0x3400  }
0xd3: {  	s1 =	sld [smem:$0x7F2]  }
0xd4: {  	[sflag:s20] =	ssyncset.done $0x0  }
0xd5: {  	[sflag:s20] =	ssyncadd.s32 $0xFFFFCC00  }
0xd6: {  	[tilespmem:s7], [sflag:$0x5] =	stream.indirect.gather [hbm4b:s3+s12], $0x20, s1, s12, $0xb8;
	[tilespmem:$0x1D400] =	vst v63  }
0xd7: {  	_ =	swait.ge [sflag:s29], $0x3400  }
0xd8: {  	[sflag:s29] =	ssyncset.done $0x0  }
0xd9: {  	s1 =	rddreg [dreg:$0x11];
	[sflag:s29] =	ssyncadd.s32 $0xFFFFCC00  }
0xda: {  	[hbm4b:s1+s2] =	stream.linear.scatter [tilespmem:s4], [sflag:$0xF], $0x3400, $0x38;
	[tilespmem:$0x1D400] =	vst v63  }
0xdb: {  	_ =	swait.ge [sflag:s19], $0x3400  }
0xdc: {  	s1 =	sld [smem:$0x7F3]  }
0xdd: {  	[sflag:s19] =	ssyncset.done $0x0  }
0xde: {  	[sflag:s19] =	ssyncadd.s32 $0xFFFFCC00  }
0xdf: {  	[tilespmem:s6], [sflag:$0x6] =	stream.indirect.gather [hbm4b:s3+s12], $0x20, s1, s12, $0xb8;
	[tilespmem:$0x1D400] =	vst v63  }
0xe0: {  	_ =	swait.ge [sflag:s24], $0x3400  }
0xe1: {  	[sflag:s24] =	ssyncset.done $0x0  }
0xe2: {  	s1 =	rddreg [dreg:$0x12];
	[sflag:s24] =	ssyncadd.s32 $0xFFFFCC00  }
0xe3: {  	[hbm4b:s1+s2] =	stream.linear.scatter [tilespmem:s5], [sflag:$0x10], $0x3400, $0x38;
	[tilespmem:$0x1D400] =	vst v63  }
0xe4: {  	_ =	swait.ge [sflag:s17], $0x3400  }
0xe5: {  	s1 =	sld [smem:$0x7F4]  }
0xe6: {  	[sflag:s17] =	ssyncset.done $0x0  }
0xe7: {  	[sflag:s17] =	ssyncadd.s32 $0xFFFFCC00  }
0xe8: {  	[tilespmem:s4], [sflag:$0x7] =	stream.indirect.gather [hbm4b:s3+s12], $0x20, s1, s12, $0xb8;
	[tilespmem:$0x1D400] =	vst v63  }
0xe9: {  	_ =	swait.ge [sflag:s26], $0x3400  }
0xea: {  	[sflag:s26] =	ssyncset.done $0x0  }
0xeb: {  	s1 =	rddreg [dreg:$0x13];
	[sflag:s26] =	ssyncadd.s32 $0xFFFFCC00  }
0xec: {  	[hbm4b:s1+s2] =	stream.linear.scatter [tilespmem:s18], [sflag:$0x9], $0x3400, $0x38;
	[tilespmem:$0x1D400] =	vst v63  }
0xed: {  	_ =	swait.ge [sflag:s16], $0x3400  }
0xee: {  	s1 =	sld [smem:$0x7F5]  }
0xef: {  	[sflag:s16] =	ssyncset.done $0x0  }
0xf0: {  	[sflag:s16] =	ssyncadd.s32 $0xFFFFCC00  }
0xf1: {  	[tilespmem:s5], [sflag:$0x8] =	stream.indirect.gather [hbm4b:s3+s12], $0x20, s1, s12, $0xb8;
	[tilespmem:$0x1D400] =	vst v63  }
0xf2: {  	_ =	swait.ge [sflag:s21], $0x3400  }
0xf3: {  	[sflag:s21] =	ssyncset.done $0x0  }
0xf4: {  	s1 =	rddreg [dreg:$0x14];
	[sflag:s21] =	ssyncadd.s32 $0xFFFFCC00  }
0xf5: {  	[hbm4b:s1+s2] =	stream.linear.scatter [tilespmem:s13], [sflag:$0xA], $0x3400, $0x38;
	[tilespmem:$0x1D400] =	vst v63  }
0xf6: {  	_ =	swait.ge [sflag:s8], $0x3400  }
0xf7: {  	s1 =	sld [smem:$0x7F6]  }
0xf8: {  	[sflag:s8] =	ssyncset.done $0x0  }
0xf9: {  	[sflag:s8] =	ssyncadd.s32 $0xFFFFCC00  }
0xfa: {  	[tilespmem:s18], [sflag:$0x1] =	stream.indirect.gather [hbm4b:s3+s12], $0x20, s1, s12, $0xb8;
	[tilespmem:$0x1D400] =	vst v63  }
0xfb: {  	_ =	swait.ge [sflag:s22], $0x3400  }
0xfc: {  	[sflag:s22] =	ssyncset.done $0x0  }
0xfd: {  	s1 =	rddreg [dreg:$0x15];
	[sflag:s22] =	ssyncadd.s32 $0xFFFFCC00  }
0xfe: {  	[hbm4b:s1+s2] =	stream.linear.scatter [tilespmem:s11], [sflag:$0xB], $0x3400, $0x38;
	[tilespmem:$0x1D400] =	vst v63  }
0xff: {  	_ =	swait.ge [sflag:s10], $0x3400  }
0x100: {  	s1 =	sld [smem:$0x7F7]  }
0x101: {  	[sflag:s10] =	ssyncset.done $0x0  }
0x102: {  	[sflag:s10] =	ssyncadd.s32 $0xFFFFCC00  }
0x103: {  	[tilespmem:s13], [sflag:$0x2] =	stream.indirect.gather [hbm4b:s3+s12], $0x20, s1, s12, $0xb8;
	[tilespmem:$0x1D400] =	vst v63  }
0x104: {  	_ =	swait.ge [sflag:s23], $0x3400  }
0x105: {  	[sflag:s23] =	ssyncset.done $0x0  }
0x106: {  	s1 =	rddreg [dreg:$0x16];
	[sflag:s23] =	ssyncadd.s32 $0xFFFFCC00  }
0x107: {  	[hbm4b:s1+s2] =	stream.linear.scatter [tilespmem:s9], [sflag:$0xC], $0x3400, $0x38;
	[tilespmem:$0x1D400] =	vst v63  }
0x108: {  	_ =	swait.ge [sflag:s14], $0x3400  }
0x109: {  	s1 =	sld [smem:$0x7F8]  }
0x10a: {  	[sflag:s14] =	ssyncset.done $0x0  }
0x10b: {  	[sflag:s14] =	ssyncadd.s32 $0xFFFFCC00  }
0x10c: {  	[tilespmem:s11], [sflag:$0x3] =	stream.indirect.gather [hbm4b:s3+s12], $0x20, s1, s12, $0xb8;
	[tilespmem:$0x1D400] =	vst v63  }
0x10d: {  	_ =	swait.ge [sflag:s25], $0x3400  }
0x10e: {  	[sflag:s25] =	ssyncset.done $0x0  }
0x10f: {  	s1 =	rddreg [dreg:$0x17];
	[sflag:s25] =	ssyncadd.s32 $0xFFFFCC00  }
0x110: {  	[hbm4b:s1+s2] =	stream.linear.scatter [tilespmem:s7], [sflag:$0xD], $0x3400, $0x38;
	[tilespmem:$0x1D400] =	vst v63  }
0x111: {  	_ =	swait.ge [sflag:s15], $0x3400  }
0x112: {  	s1 =	sld [smem:$0x7F9]  }
0x113: {  	[sflag:s15] =	ssyncset.done $0x0  }
0x114: {  	[sflag:s15] =	ssyncadd.s32 $0xFFFFCC00  }
0x115: {  	[tilespmem:s9], [sflag:$0x4] =	stream.indirect.gather [hbm4b:s3+s12], $0x20, s1, s12, $0xb8;
	[tilespmem:$0x1D400] =	vst v63  }
0x116: {  	_ =	swait.ge [sflag:s28], $0x3400  }
0x117: {  	[sflag:s28] =	ssyncset.done $0x0  }
0x118: {  	s1 =	rddreg [dreg:$0x18];
	[sflag:s28] =	ssyncadd.s32 $0xFFFFCC00  }
0x119: {  	[hbm4b:s1+s2] =	stream.linear.scatter [tilespmem:s6], [sflag:$0xE], $0x3400, $0x38;
	[tilespmem:$0x1D400] =	vst v63  }
0x11a: {  	_ =	swait.ge [sflag:s20], $0x3400  }
0x11b: {  	s1 =	sld [smem:$0x7FA]  }
0x11c: {  	[sflag:s20] =	ssyncset.done $0x0  }
0x11d: {  	[sflag:s20] =	ssyncadd.s32 $0xFFFFCC00  }
0x11e: {  	[tilespmem:s7], [sflag:$0x5] =	stream.indirect.gather [hbm4b:s3+s12], $0x20, s1, s12, $0xb8;
	[tilespmem:$0x1D400] =	vst v63  }
0x11f: {  	_ =	swait.ge [sflag:s29], $0x3400  }
0x120: {  	[sflag:s29] =	ssyncset.done $0x0  }
0x121: {  	s1 =	rddreg [dreg:$0x19];
	[sflag:s29] =	ssyncadd.s32 $0xFFFFCC00  }
0x122: {  	[hbm4b:s1+s2] =	stream.linear.scatter [tilespmem:s4], [sflag:$0xF], $0x3400, $0x38;
	[tilespmem:$0x1D400] =	vst v63  }
0x123: {  	_ =	swait.ge [sflag:s19], $0x3400  }
0x124: {  	s1 =	sld [smem:$0x7FB]  }
0x125: {  	[sflag:s19] =	ssyncset.done $0x0  }
0x126: {  	[sflag:s19] =	ssyncadd.s32 $0xFFFFCC00  }
0x127: {  	[tilespmem:s6], [sflag:$0x6] =	stream.indirect.gather [hbm4b:s3+s12], $0x20, s1, s12, $0xb8;
	[tilespmem:$0x1D400] =	vst v63  }
0x128: {  	_ =	swait.ge [sflag:s24], $0x3400  }
0x129: {  	[sflag:s24] =	ssyncset.done $0x0  }
0x12a: {  	s1 =	rddreg [dreg:$0x1a];
	[sflag:s24] =	ssyncadd.s32 $0xFFFFCC00  }
0x12b: {  	[hbm4b:s1+s2] =	stream.linear.scatter [tilespmem:s5], [sflag:$0x10], $0x3400, $0x38;
	[tilespmem:$0x1D400] =	vst v63  }
0x12c: {  	_ =	swait.ge [sflag:s17], $0x3400  }
0x12d: {  	s1 =	sld [smem:$0x7FC]  }
0x12e: {  	[sflag:s17] =	ssyncset.done $0x0  }
0x12f: {  	[sflag:s17] =	ssyncadd.s32 $0xFFFFCC00  }
0x130: {  	[tilespmem:s4], [sflag:$0x7] =	stream.indirect.gather [hbm4b:s3+s12], $0x20, s1, s12, $0xb8;
	[tilespmem:$0x1D400] =	vst v63  }
0x131: {  	_ =	swait.ge [sflag:s26], $0x3400  }
0x132: {  	[sflag:s26] =	ssyncset.done $0x0  }
0x133: {  	s1 =	rddreg [dreg:$0x1b];
	[sflag:s26] =	ssyncadd.s32 $0xFFFFCC00  }
0x134: {  	[hbm4b:s1+s2] =	stream.linear.scatter [tilespmem:s18], [sflag:$0x9], $0x3400, $0x38;
	[tilespmem:$0x1D400] =	vst v63  }
0x135: {  	_ =	swait.ge [sflag:s16], $0x3400  }
0x136: {  	s1 =	sld [smem:$0x7FD]  }
0x137: {  	[sflag:s16] =	ssyncset.done $0x0  }
0x138: {  	[sflag:s16] =	ssyncadd.s32 $0xFFFFCC00  }
0x139: {  	[tilespmem:s5], [sflag:$0x8] =	stream.indirect.gather [hbm4b:s3+s12], $0x20, s1, s12, $0xb8;
	[tilespmem:$0x1D400] =	vst v63  }
0x13a: {  	_ =	swait.ge [sflag:s21], $0x3400  }
0x13b: {  	[sflag:s21] =	ssyncset.done $0x0  }
0x13c: {  	s1 =	rddreg [dreg:$0x1c];
	[sflag:s21] =	ssyncadd.s32 $0xFFFFCC00  }
0x13d: {  	[hbm4b:s1+s2] =	stream.linear.scatter [tilespmem:s13], [sflag:$0xA], $0x3400, $0x38;
	[tilespmem:$0x1D400] =	vst v63  }
0x13e: {  	_ =	swait.ge [sflag:s22], $0x3400  }
0x13f: {  	[sflag:s22] =	ssyncset.done $0x0  }
0x140: {  	s1 =	rddreg [dreg:$0x1d];
	[sflag:s22] =	ssyncadd.s32 $0xFFFFCC00  }
0x141: {  	[hbm4b:s1+s2] =	stream.linear.scatter [tilespmem:s11], [sflag:$0xB], $0x3400, $0x38;
	[tilespmem:$0x1D400] =	vst v63  }
0x142: {  	_ =	swait.ge [sflag:s23], $0x3400  }
0x143: {  	[sflag:s23] =	ssyncset.done $0x0  }
0x144: {  	s1 =	rddreg [dreg:$0x1e];
	[sflag:s23] =	ssyncadd.s32 $0xFFFFCC00  }
0x145: {  	[hbm4b:s1+s2] =	stream.linear.scatter [tilespmem:s9], [sflag:$0xC], $0x3400, $0x38;
	[tilespmem:$0x1D400] =	vst v63  }
0x146: {  	_ =	swait.ge [sflag:s25], $0x3400  }
0x147: {  	[sflag:s25] =	ssyncset.done $0x0  }
0x148: {  	s1 =	rddreg [dreg:$0x1f];
	[sflag:s25] =	ssyncadd.s32 $0xFFFFCC00  }
0x149: {  	[hbm4b:s1+s2] =	stream.linear.scatter [tilespmem:s7], [sflag:$0xD], $0x3400, $0x38;
	[tilespmem:$0x1D400] =	vst v63  }
0x14a: {  	_ =	swait.ge [sflag:s28], $0x3400  }
0x14b: {  	s1 =	sld [smem:$0x7DD]  }
0x14c: {  	[sflag:s28] =	ssyncset.done $0x0  }
0x14d: {  	[sflag:s28] =	ssyncadd.s32 $0xFFFFCC00  }
0x14e: {  	[hbm4b:s1+s2] =	stream.linear.scatter [tilespmem:s6], [sflag:$0xE], $0x3400, $0x38;
	[tilespmem:$0x1D400] =	vst v63  }
0x14f: {  	_ =	swait.ge [sflag:s29], $0x3400  }
0x150: {  	s1 =	sld [smem:$0x7DE]  }
0x151: {  	[sflag:s29] =	ssyncset.done $0x0  }
0x152: {  	[sflag:s29] =	ssyncadd.s32 $0xFFFFCC00  }
0x153: {  	[hbm4b:s1+s2] =	stream.linear.scatter [tilespmem:s4], [sflag:$0xF], $0x3400, $0x38;
	[tilespmem:$0x1D400] =	vst v63  }
0x154: {  	_ =	swait.ge [sflag:s24], $0x3400  }
0x155: {  	s1 =	sld [smem:$0x7DF]  }
0x156: {  	[sflag:s24] =	ssyncset.done $0x0  }
0x157: {  	[sflag:s24] =	ssyncadd.s32 $0xFFFFCC00  }
0x158: {  	[hbm4b:s1+s2] =	stream.linear.scatter [tilespmem:s5], [sflag:$0x10], $0x3400, $0x38;
	[tilespmem:$0x1D400] =	vst v63  }
0x159: {  	_ =	swait.ge [sflag:s8], $0x3400  }
0x15a: {  	[sflag:s8] =	ssyncset.done $0x0  }
0x15b: {  	[sflag:s8] =	ssyncadd.s32 $0xFFFFCC00  }
0x15c: {  	_ =	swait.ge [sflag:s10], $0x3400  }
0x15d: {  	[sflag:s10] =	ssyncset.done $0x0  }
0x15e: {  	[sflag:s10] =	ssyncadd.s32 $0xFFFFCC00  }
0x15f: {  	_ =	swait.ge [sflag:s14], $0x3400  }
0x160: {  	[sflag:s14] =	ssyncset.done $0x0  }
0x161: {  	[sflag:s14] =	ssyncadd.s32 $0xFFFFCC00  }
0x162: {  	_ =	swait.ge [sflag:s15], $0x3400  }
0x163: {  	[sflag:s15] =	ssyncset.done $0x0  }
0x164: {  	[sflag:s15] =	ssyncadd.s32 $0xFFFFCC00  }
0x165: {  	_ =	swait.ge [sflag:s20], $0x3400  }
0x166: {  	[sflag:s20] =	ssyncset.done $0x0  }
0x167: {  	[sflag:s20] =	ssyncadd.s32 $0xFFFFCC00  }
0x168: {  	_ =	swait.ge [sflag:s19], $0x3400  }
0x169: {  	[sflag:s19] =	ssyncset.done $0x0  }
0x16a: {  	p1 =	sne.s32 s30, $0x1;
	[sflag:s19] =	ssyncadd.s32 $0xFFFFCC00  }
.Ltmp1:
0x16b: {  	_ =	swait.ge [sflag:s17], $0x3400;
	(pc) =	sbr.rel @!p1 .LBB2_3-.Ltmp1, $4  }
0x16c: {  	[sflag:s17] =	ssyncset.done $0x0  }
0x16d: {  	[sflag:s17] =	ssyncadd.s32 $0xFFFFCC00  }
0x16e: {  	p0 =	por $0x1, $0x1;
	_ =	swait.ge [sflag:s16], $0x3400  }
0x16f: {  	s1 =	sadd.s32 $0xFFFFFFFF, s30;
	s0 =	rddreg [dreg:$0x3];
	[sflag:s16] =	ssyncset.done $0x0  }
.LBB2_4:
0x170: {  	[sflag:s16] =	ssyncadd.s32 $0xFFFFCC00  }
0x171: {  	[tilespmem:s2], [sflag:$0x11] =	stream.linear.gather [hbm4b:s0+s2], $0x3400, $0x38;
	[tilespmem:$0x1D400] =	vst v63  }
0x172: {  	_ =	swait.ge [sflag:s31], $0x3400  }
0x173: {  	[sflag:s31] =	ssyncset.done $0x0  }
0x174: {  	[sflag:s31] =	ssyncadd.s32 $0xFFFFCC00  }
0x175: {  	[tilespmem:s18], [sflag:$0x1] =	stream.indirect.gather [hbm4b:s3+s12], $0x20, s2, s12, $0xb8;
	[tilespmem:$0x1D400] =	vst v63  }
0x176: {  	s0 =	sld [smem:$0x7E0]  }
0x177: {  	[tilespmem:s13], [sflag:$0x2] =	stream.indirect.gather [hbm4b:s3+s12], $0x20, s12, s12, $0xb8;
	[tilespmem:$0x1D400] =	vst v63  }
0x178: {  	s30 =	sld [smem:$0x7E1]  }
0x179: {  	[tilespmem:s11], [sflag:$0x3] =	stream.indirect.gather [hbm4b:s3+s12], $0x20, s0, s12, $0xb8;
	[tilespmem:$0x1D400] =	vst v63  }
0x17a: {  	s0 =	sld [smem:$0x7E2]  }
0x17b: {  	[tilespmem:s9], [sflag:$0x4] =	stream.indirect.gather [hbm4b:s3+s12], $0x20, s30, s12, $0xb8;
	[tilespmem:$0x1D400] =	vst v63  }
0x17c: {  	s30 =	sld [smem:$0x7E3]  }
0x17d: {  	[tilespmem:s7], [sflag:$0x5] =	stream.indirect.gather [hbm4b:s3+s12], $0x20, s0, s12, $0xb8;
	[tilespmem:$0x1D400] =	vst v63  }
0x17e: {  	s0 =	sld [smem:$0x7E4]  }
0x17f: {  	[tilespmem:s6], [sflag:$0x6] =	stream.indirect.gather [hbm4b:s3+s12], $0x20, s30, s12, $0xb8;
	[tilespmem:$0x1D400] =	vst v63  }
0x180: {  	_ = 	snop  }
0x181: {  	[tilespmem:s4], [sflag:$0x7] =	stream.indirect.gather [hbm4b:s3+s12], $0x20, s0, s12, $0xb8;
	[tilespmem:$0x1D400] =	vst v63  }
0x182: {  	_ =	swait.ge [sflag:s26], $0x3400  }
0x183: {  	s30 =	sld [smem:$0x7DC]  }
0x184: {  	[sflag:s26] =	ssyncset.done $0x0  }
0x185: {  	s0 =	sld [smem:$0x7E5];
	[sflag:s26] =	ssyncadd.s32 $0xFFFFCC00  }
0x186: {  	[hbm4b:s30+s2] =	stream.linear.scatter [tilespmem:s18], [sflag:$0x9], $0x3400, $0x38;
	[tilespmem:$0x1D400] =	vst v63  }
0x187: {  	_ = 	snop  }
0x188: {  	[tilespmem:s5], [sflag:$0x8] =	stream.indirect.gather [hbm4b:s3+s12], $0x20, s0, s12, $0xb8;
	[tilespmem:$0x1D400] =	vst v63  }
0x189: {  	_ =	swait.ge [sflag:s21], $0x3400  }
0x18a: {  	[sflag:s21] =	ssyncset.done $0x0  }
0x18b: {  	s30 =	rddreg [dreg:$0x4];
	[sflag:s21] =	ssyncadd.s32 $0xFFFFCC00  }
0x18c: {  	[hbm4b:s30+s2] =	stream.linear.scatter [tilespmem:s13], [sflag:$0xA], $0x3400, $0x38;
	[tilespmem:$0x1D400] =	vst v63  }
0x18d: {  	_ =	swait.ge [sflag:s8], $0x3400  }
0x18e: {  	s30 =	sld [smem:$0x7E6]  }
0x18f: {  	[sflag:s8] =	ssyncset.done $0x0  }
0x190: {  	[sflag:s8] =	ssyncadd.s32 $0xFFFFCC00  }
0x191: {  	[tilespmem:s18], [sflag:$0x1] =	stream.indirect.gather [hbm4b:s3+s12], $0x20, s30, s12, $0xb8;
	[tilespmem:$0x1D400] =	vst v63  }
0x192: {  	_ =	swait.ge [sflag:s22], $0x3400  }
0x193: {  	[sflag:s22] =	ssyncset.done $0x0  }
0x194: {  	s30 =	rddreg [dreg:$0x5];
	[sflag:s22] =	ssyncadd.s32 $0xFFFFCC00  }
0x195: {  	[hbm4b:s30+s2] =	stream.linear.scatter [tilespmem:s11], [sflag:$0xB], $0x3400, $0x38;
	[tilespmem:$0x1D400] =	vst v63  }
0x196: {  	_ =	swait.ge [sflag:s10], $0x3400  }
0x197: {  	s30 =	sld [smem:$0x7E7]  }
0x198: {  	[sflag:s10] =	ssyncset.done $0x0  }
0x199: {  	[sflag:s10] =	ssyncadd.s32 $0xFFFFCC00  }
0x19a: {  	[tilespmem:s13], [sflag:$0x2] =	stream.indirect.gather [hbm4b:s3+s12], $0x20, s30, s12, $0xb8;
	[tilespmem:$0x1D400] =	vst v63  }
0x19b: {  	_ =	swait.ge [sflag:s23], $0x3400  }
0x19c: {  	[sflag:s23] =	ssyncset.done $0x0  }
0x19d: {  	s30 =	rddreg [dreg:$0x6];
	[sflag:s23] =	ssyncadd.s32 $0xFFFFCC00  }
0x19e: {  	[hbm4b:s30+s2] =	stream.linear.scatter [tilespmem:s9], [sflag:$0xC], $0x3400, $0x38;
	[tilespmem:$0x1D400] =	vst v63  }
0x19f: {  	_ =	swait.ge [sflag:s14], $0x3400  }
0x1a0: {  	s30 =	sld [smem:$0x7E8]  }
0x1a1: {  	[sflag:s14] =	ssyncset.done $0x0  }
0x1a2: {  	[sflag:s14] =	ssyncadd.s32 $0xFFFFCC00  }
0x1a3: {  	[tilespmem:s11], [sflag:$0x3] =	stream.indirect.gather [hbm4b:s3+s12], $0x20, s30, s12, $0xb8;
	[tilespmem:$0x1D400] =	vst v63  }
0x1a4: {  	_ =	swait.ge [sflag:s25], $0x3400  }
0x1a5: {  	[sflag:s25] =	ssyncset.done $0x0  }
0x1a6: {  	s30 =	rddreg [dreg:$0x7];
	[sflag:s25] =	ssyncadd.s32 $0xFFFFCC00  }
0x1a7: {  	[hbm4b:s30+s2] =	stream.linear.scatter [tilespmem:s7], [sflag:$0xD], $0x3400, $0x38;
	[tilespmem:$0x1D400] =	vst v63  }
0x1a8: {  	_ =	swait.ge [sflag:s15], $0x3400  }
0x1a9: {  	s30 =	sld [smem:$0x7E9]  }
0x1aa: {  	[sflag:s15] =	ssyncset.done $0x0  }
0x1ab: {  	[sflag:s15] =	ssyncadd.s32 $0xFFFFCC00  }
0x1ac: {  	[tilespmem:s9], [sflag:$0x4] =	stream.indirect.gather [hbm4b:s3+s12], $0x20, s30, s12, $0xb8;
	[tilespmem:$0x1D400] =	vst v63  }
0x1ad: {  	_ =	swait.ge [sflag:s28], $0x3400  }
0x1ae: {  	[sflag:s28] =	ssyncset.done $0x0  }
0x1af: {  	s30 =	rddreg [dreg:$0x8];
	[sflag:s28] =	ssyncadd.s32 $0xFFFFCC00  }
0x1b0: {  	[hbm4b:s30+s2] =	stream.linear.scatter [tilespmem:s6], [sflag:$0xE], $0x3400, $0x38;
	[tilespmem:$0x1D400] =	vst v63  }
0x1b1: {  	_ =	swait.ge [sflag:s20], $0x3400  }
0x1b2: {  	s30 =	sld [smem:$0x7EA]  }
0x1b3: {  	[sflag:s20] =	ssyncset.done $0x0  }
0x1b4: {  	[sflag:s20] =	ssyncadd.s32 $0xFFFFCC00  }
0x1b5: {  	[tilespmem:s7], [sflag:$0x5] =	stream.indirect.gather [hbm4b:s3+s12], $0x20, s30, s12, $0xb8;
	[tilespmem:$0x1D400] =	vst v63  }
0x1b6: {  	_ =	swait.ge [sflag:s29], $0x3400  }
0x1b7: {  	[sflag:s29] =	ssyncset.done $0x0  }
0x1b8: {  	s30 =	rddreg [dreg:$0x9];
	[sflag:s29] =	ssyncadd.s32 $0xFFFFCC00  }
0x1b9: {  	[hbm4b:s30+s2] =	stream.linear.scatter [tilespmem:s4], [sflag:$0xF], $0x3400, $0x38;
	[tilespmem:$0x1D400] =	vst v63  }
0x1ba: {  	_ =	swait.ge [sflag:s19], $0x3400  }
0x1bb: {  	s30 =	sld [smem:$0x7EB]  }
0x1bc: {  	[sflag:s19] =	ssyncset.done $0x0  }
0x1bd: {  	[sflag:s19] =	ssyncadd.s32 $0xFFFFCC00  }
0x1be: {  	[tilespmem:s6], [sflag:$0x6] =	stream.indirect.gather [hbm4b:s3+s12], $0x20, s30, s12, $0xb8;
	[tilespmem:$0x1D400] =	vst v63  }
0x1bf: {  	_ =	swait.ge [sflag:s24], $0x3400  }
0x1c0: {  	[sflag:s24] =	ssyncset.done $0x0  }
0x1c1: {  	s30 =	rddreg [dreg:$0xa];
	[sflag:s24] =	ssyncadd.s32 $0xFFFFCC00  }
0x1c2: {  	[hbm4b:s30+s2] =	stream.linear.scatter [tilespmem:s5], [sflag:$0x10], $0x3400, $0x38;
	[tilespmem:$0x1D400] =	vst v63  }
0x1c3: {  	_ =	swait.ge [sflag:s17], $0x3400  }
0x1c4: {  	s30 =	sld [smem:$0x7EC]  }
0x1c5: {  	[sflag:s17] =	ssyncset.done $0x0  }
0x1c6: {  	[sflag:s17] =	ssyncadd.s32 $0xFFFFCC00  }
0x1c7: {  	[tilespmem:s4], [sflag:$0x7] =	stream.indirect.gather [hbm4b:s3+s12], $0x20, s30, s12, $0xb8;
	[tilespmem:$0x1D400] =	vst v63  }
0x1c8: {  	_ =	swait.ge [sflag:s26], $0x3400  }
0x1c9: {  	[sflag:s26] =	ssyncset.done $0x0  }
0x1ca: {  	s30 =	rddreg [dreg:$0xb];
	[sflag:s26] =	ssyncadd.s32 $0xFFFFCC00  }
0x1cb: {  	[hbm4b:s30+s2] =	stream.linear.scatter [tilespmem:s18], [sflag:$0x9], $0x3400, $0x38;
	[tilespmem:$0x1D400] =	vst v63  }
0x1cc: {  	_ =	swait.ge [sflag:s16], $0x3400  }
0x1cd: {  	s30 =	sld [smem:$0x7ED]  }
0x1ce: {  	[sflag:s16] =	ssyncset.done $0x0  }
0x1cf: {  	[sflag:s16] =	ssyncadd.s32 $0xFFFFCC00  }
0x1d0: {  	[tilespmem:s5], [sflag:$0x8] =	stream.indirect.gather [hbm4b:s3+s12], $0x20, s30, s12, $0xb8;
	[tilespmem:$0x1D400] =	vst v63  }
0x1d1: {  	_ =	swait.ge [sflag:s21], $0x3400  }
0x1d2: {  	[sflag:s21] =	ssyncset.done $0x0  }
0x1d3: {  	s30 =	rddreg [dreg:$0xc];
	[sflag:s21] =	ssyncadd.s32 $0xFFFFCC00  }
0x1d4: {  	[hbm4b:s30+s2] =	stream.linear.scatter [tilespmem:s13], [sflag:$0xA], $0x3400, $0x38;
	[tilespmem:$0x1D400] =	vst v63  }
0x1d5: {  	_ =	swait.ge [sflag:s8], $0x3400  }
0x1d6: {  	s30 =	sld [smem:$0x7EE]  }
0x1d7: {  	[sflag:s8] =	ssyncset.done $0x0  }
0x1d8: {  	[sflag:s8] =	ssyncadd.s32 $0xFFFFCC00  }
0x1d9: {  	[tilespmem:s18], [sflag:$0x1] =	stream.indirect.gather [hbm4b:s3+s12], $0x20, s30, s12, $0xb8;
	[tilespmem:$0x1D400] =	vst v63  }
0x1da: {  	_ =	swait.ge [sflag:s22], $0x3400  }
0x1db: {  	[sflag:s22] =	ssyncset.done $0x0  }
0x1dc: {  	s30 =	rddreg [dreg:$0xd];
	[sflag:s22] =	ssyncadd.s32 $0xFFFFCC00  }
0x1dd: {  	[hbm4b:s30+s2] =	stream.linear.scatter [tilespmem:s11], [sflag:$0xB], $0x3400, $0x38;
	[tilespmem:$0x1D400] =	vst v63  }
0x1de: {  	_ =	swait.ge [sflag:s10], $0x3400  }
0x1df: {  	s30 =	sld [smem:$0x7EF]  }
0x1e0: {  	[sflag:s10] =	ssyncset.done $0x0  }
0x1e1: {  	[sflag:s10] =	ssyncadd.s32 $0xFFFFCC00  }
0x1e2: {  	[tilespmem:s13], [sflag:$0x2] =	stream.indirect.gather [hbm4b:s3+s12], $0x20, s30, s12, $0xb8;
	[tilespmem:$0x1D400] =	vst v63  }
0x1e3: {  	_ =	swait.ge [sflag:s23], $0x3400  }
0x1e4: {  	[sflag:s23] =	ssyncset.done $0x0  }
0x1e5: {  	s30 =	rddreg [dreg:$0xe];
	[sflag:s23] =	ssyncadd.s32 $0xFFFFCC00  }
0x1e6: {  	[hbm4b:s30+s2] =	stream.linear.scatter [tilespmem:s9], [sflag:$0xC], $0x3400, $0x38;
	[tilespmem:$0x1D400] =	vst v63  }
0x1e7: {  	_ =	swait.ge [sflag:s14], $0x3400  }
0x1e8: {  	s30 =	sld [smem:$0x7F0]  }
0x1e9: {  	[sflag:s14] =	ssyncset.done $0x0  }
0x1ea: {  	[sflag:s14] =	ssyncadd.s32 $0xFFFFCC00  }
0x1eb: {  	[tilespmem:s11], [sflag:$0x3] =	stream.indirect.gather [hbm4b:s3+s12], $0x20, s30, s12, $0xb8;
	[tilespmem:$0x1D400] =	vst v63  }
0x1ec: {  	_ =	swait.ge [sflag:s25], $0x3400  }
0x1ed: {  	[sflag:s25] =	ssyncset.done $0x0  }
0x1ee: {  	s30 =	rddreg [dreg:$0xf];
	[sflag:s25] =	ssyncadd.s32 $0xFFFFCC00  }
0x1ef: {  	[hbm4b:s30+s2] =	stream.linear.scatter [tilespmem:s7], [sflag:$0xD], $0x3400, $0x38;
	[tilespmem:$0x1D400] =	vst v63  }
0x1f0: {  	_ =	swait.ge [sflag:s15], $0x3400  }
0x1f1: {  	s30 =	sld [smem:$0x7F1]  }
0x1f2: {  	[sflag:s15] =	ssyncset.done $0x0  }
0x1f3: {  	[sflag:s15] =	ssyncadd.s32 $0xFFFFCC00  }
0x1f4: {  	[tilespmem:s9], [sflag:$0x4] =	stream.indirect.gather [hbm4b:s3+s12], $0x20, s30, s12, $0xb8;
	[tilespmem:$0x1D400] =	vst v63  }
0x1f5: {  	_ =	swait.ge [sflag:s28], $0x3400  }
0x1f6: {  	[sflag:s28] =	ssyncset.done $0x0  }
0x1f7: {  	s30 =	rddreg [dreg:$0x10];
	[sflag:s28] =	ssyncadd.s32 $0xFFFFCC00  }
0x1f8: {  	[hbm4b:s30+s2] =	stream.linear.scatter [tilespmem:s6], [sflag:$0xE], $0x3400, $0x38;
	[tilespmem:$0x1D400] =	vst v63  }
0x1f9: {  	_ =	swait.ge [sflag:s20], $0x3400  }
0x1fa: {  	s30 =	sld [smem:$0x7F2]  }
0x1fb: {  	[sflag:s20] =	ssyncset.done $0x0  }
0x1fc: {  	[sflag:s20] =	ssyncadd.s32 $0xFFFFCC00  }
0x1fd: {  	[tilespmem:s7], [sflag:$0x5] =	stream.indirect.gather [hbm4b:s3+s12], $0x20, s30, s12, $0xb8;
	[tilespmem:$0x1D400] =	vst v63  }
0x1fe: {  	_ =	swait.ge [sflag:s29], $0x3400  }
0x1ff: {  	[sflag:s29] =	ssyncset.done $0x0  }
0x200: {  	s30 =	rddreg [dreg:$0x11];
	[sflag:s29] =	ssyncadd.s32 $0xFFFFCC00  }
0x201: {  	[hbm4b:s30+s2] =	stream.linear.scatter [tilespmem:s4], [sflag:$0xF], $0x3400, $0x38;
	[tilespmem:$0x1D400] =	vst v63  }
0x202: {  	_ =	swait.ge [sflag:s19], $0x3400  }
0x203: {  	s30 =	sld [smem:$0x7F3]  }
0x204: {  	[sflag:s19] =	ssyncset.done $0x0  }
0x205: {  	[sflag:s19] =	ssyncadd.s32 $0xFFFFCC00  }
0x206: {  	[tilespmem:s6], [sflag:$0x6] =	stream.indirect.gather [hbm4b:s3+s12], $0x20, s30, s12, $0xb8;
	[tilespmem:$0x1D400] =	vst v63  }
0x207: {  	_ =	swait.ge [sflag:s24], $0x3400  }
0x208: {  	[sflag:s24] =	ssyncset.done $0x0  }
0x209: {  	s30 =	rddreg [dreg:$0x12];
	[sflag:s24] =	ssyncadd.s32 $0xFFFFCC00  }
0x20a: {  	[hbm4b:s30+s2] =	stream.linear.scatter [tilespmem:s5], [sflag:$0x10], $0x3400, $0x38;
	[tilespmem:$0x1D400] =	vst v63  }
0x20b: {  	_ =	swait.ge [sflag:s17], $0x3400  }
0x20c: {  	s30 =	sld [smem:$0x7F4]  }
0x20d: {  	[sflag:s17] =	ssyncset.done $0x0  }
0x20e: {  	[sflag:s17] =	ssyncadd.s32 $0xFFFFCC00  }
0x20f: {  	[tilespmem:s4], [sflag:$0x7] =	stream.indirect.gather [hbm4b:s3+s12], $0x20, s30, s12, $0xb8;
	[tilespmem:$0x1D400] =	vst v63  }
0x210: {  	_ =	swait.ge [sflag:s26], $0x3400  }
0x211: {  	[sflag:s26] =	ssyncset.done $0x0  }
0x212: {  	s30 =	rddreg [dreg:$0x13];
	[sflag:s26] =	ssyncadd.s32 $0xFFFFCC00  }
0x213: {  	[hbm4b:s30+s2] =	stream.linear.scatter [tilespmem:s18], [sflag:$0x9], $0x3400, $0x38;
	[tilespmem:$0x1D400] =	vst v63  }
0x214: {  	_ =	swait.ge [sflag:s16], $0x3400  }
0x215: {  	s30 =	sld [smem:$0x7F5]  }
0x216: {  	[sflag:s16] =	ssyncset.done $0x0  }
0x217: {  	[sflag:s16] =	ssyncadd.s32 $0xFFFFCC00  }
0x218: {  	[tilespmem:s5], [sflag:$0x8] =	stream.indirect.gather [hbm4b:s3+s12], $0x20, s30, s12, $0xb8;
	[tilespmem:$0x1D400] =	vst v63  }
0x219: {  	_ =	swait.ge [sflag:s21], $0x3400  }
0x21a: {  	[sflag:s21] =	ssyncset.done $0x0  }
0x21b: {  	s30 =	rddreg [dreg:$0x14];
	[sflag:s21] =	ssyncadd.s32 $0xFFFFCC00  }
0x21c: {  	[hbm4b:s30+s2] =	stream.linear.scatter [tilespmem:s13], [sflag:$0xA], $0x3400, $0x38;
	[tilespmem:$0x1D400] =	vst v63  }
0x21d: {  	_ =	swait.ge [sflag:s8], $0x3400  }
0x21e: {  	s30 =	sld [smem:$0x7F6]  }
0x21f: {  	[sflag:s8] =	ssyncset.done $0x0  }
0x220: {  	[sflag:s8] =	ssyncadd.s32 $0xFFFFCC00  }
0x221: {  	[tilespmem:s18], [sflag:$0x1] =	stream.indirect.gather [hbm4b:s3+s12], $0x20, s30, s12, $0xb8;
	[tilespmem:$0x1D400] =	vst v63  }
0x222: {  	_ =	swait.ge [sflag:s22], $0x3400  }
0x223: {  	[sflag:s22] =	ssyncset.done $0x0  }
0x224: {  	s30 =	rddreg [dreg:$0x15];
	[sflag:s22] =	ssyncadd.s32 $0xFFFFCC00  }
0x225: {  	[hbm4b:s30+s2] =	stream.linear.scatter [tilespmem:s11], [sflag:$0xB], $0x3400, $0x38;
	[tilespmem:$0x1D400] =	vst v63  }
0x226: {  	_ =	swait.ge [sflag:s10], $0x3400  }
0x227: {  	s30 =	sld [smem:$0x7F7]  }
0x228: {  	[sflag:s10] =	ssyncset.done $0x0  }
0x229: {  	[sflag:s10] =	ssyncadd.s32 $0xFFFFCC00  }
0x22a: {  	[tilespmem:s13], [sflag:$0x2] =	stream.indirect.gather [hbm4b:s3+s12], $0x20, s30, s12, $0xb8;
	[tilespmem:$0x1D400] =	vst v63  }
0x22b: {  	_ =	swait.ge [sflag:s23], $0x3400  }
0x22c: {  	[sflag:s23] =	ssyncset.done $0x0  }
0x22d: {  	s30 =	rddreg [dreg:$0x16];
	[sflag:s23] =	ssyncadd.s32 $0xFFFFCC00  }
0x22e: {  	[hbm4b:s30+s2] =	stream.linear.scatter [tilespmem:s9], [sflag:$0xC], $0x3400, $0x38;
	[tilespmem:$0x1D400] =	vst v63  }
0x22f: {  	_ =	swait.ge [sflag:s14], $0x3400  }
0x230: {  	s30 =	sld [smem:$0x7F8]  }
0x231: {  	[sflag:s14] =	ssyncset.done $0x0  }
0x232: {  	[sflag:s14] =	ssyncadd.s32 $0xFFFFCC00  }
0x233: {  	[tilespmem:s11], [sflag:$0x3] =	stream.indirect.gather [hbm4b:s3+s12], $0x20, s30, s12, $0xb8;
	[tilespmem:$0x1D400] =	vst v63  }
0x234: {  	_ =	swait.ge [sflag:s25], $0x3400  }
0x235: {  	[sflag:s25] =	ssyncset.done $0x0  }
0x236: {  	s30 =	rddreg [dreg:$0x17];
	[sflag:s25] =	ssyncadd.s32 $0xFFFFCC00  }
0x237: {  	[hbm4b:s30+s2] =	stream.linear.scatter [tilespmem:s7], [sflag:$0xD], $0x3400, $0x38;
	[tilespmem:$0x1D400] =	vst v63  }
0x238: {  	_ =	swait.ge [sflag:s15], $0x3400  }
0x239: {  	s30 =	sld [smem:$0x7F9]  }
0x23a: {  	[sflag:s15] =	ssyncset.done $0x0  }
0x23b: {  	[sflag:s15] =	ssyncadd.s32 $0xFFFFCC00  }
0x23c: {  	[tilespmem:s9], [sflag:$0x4] =	stream.indirect.gather [hbm4b:s3+s12], $0x20, s30, s12, $0xb8;
	[tilespmem:$0x1D400] =	vst v63  }
0x23d: {  	_ =	swait.ge [sflag:s28], $0x3400  }
0x23e: {  	[sflag:s28] =	ssyncset.done $0x0  }
0x23f: {  	s30 =	rddreg [dreg:$0x18];
	[sflag:s28] =	ssyncadd.s32 $0xFFFFCC00  }
0x240: {  	[hbm4b:s30+s2] =	stream.linear.scatter [tilespmem:s6], [sflag:$0xE], $0x3400, $0x38;
	[tilespmem:$0x1D400] =	vst v63  }
0x241: {  	_ =	swait.ge [sflag:s20], $0x3400  }
0x242: {  	s30 =	sld [smem:$0x7FA]  }
0x243: {  	[sflag:s20] =	ssyncset.done $0x0  }
0x244: {  	[sflag:s20] =	ssyncadd.s32 $0xFFFFCC00  }
0x245: {  	[tilespmem:s7], [sflag:$0x5] =	stream.indirect.gather [hbm4b:s3+s12], $0x20, s30, s12, $0xb8;
	[tilespmem:$0x1D400] =	vst v63  }
0x246: {  	_ =	swait.ge [sflag:s29], $0x3400  }
0x247: {  	[sflag:s29] =	ssyncset.done $0x0  }
0x248: {  	s30 =	rddreg [dreg:$0x19];
	[sflag:s29] =	ssyncadd.s32 $0xFFFFCC00  }
0x249: {  	[hbm4b:s30+s2] =	stream.linear.scatter [tilespmem:s4], [sflag:$0xF], $0x3400, $0x38;
	[tilespmem:$0x1D400] =	vst v63  }
0x24a: {  	_ =	swait.ge [sflag:s19], $0x3400  }
0x24b: {  	s30 =	sld [smem:$0x7FB]  }
0x24c: {  	[sflag:s19] =	ssyncset.done $0x0  }
0x24d: {  	[sflag:s19] =	ssyncadd.s32 $0xFFFFCC00  }
0x24e: {  	[tilespmem:s6], [sflag:$0x6] =	stream.indirect.gather [hbm4b:s3+s12], $0x20, s30, s12, $0xb8;
	[tilespmem:$0x1D400] =	vst v63  }
0x24f: {  	_ =	swait.ge [sflag:s24], $0x3400  }
0x250: {  	[sflag:s24] =	ssyncset.done $0x0  }
0x251: {  	s30 =	rddreg [dreg:$0x1a];
	[sflag:s24] =	ssyncadd.s32 $0xFFFFCC00  }
0x252: {  	[hbm4b:s30+s2] =	stream.linear.scatter [tilespmem:s5], [sflag:$0x10], $0x3400, $0x38;
	[tilespmem:$0x1D400] =	vst v63  }
0x253: {  	_ =	swait.ge [sflag:s17], $0x3400  }
0x254: {  	s30 =	sld [smem:$0x7FC]  }
0x255: {  	[sflag:s17] =	ssyncset.done $0x0  }
0x256: {  	[sflag:s17] =	ssyncadd.s32 $0xFFFFCC00  }
0x257: {  	[tilespmem:s4], [sflag:$0x7] =	stream.indirect.gather [hbm4b:s3+s12], $0x20, s30, s12, $0xb8;
	[tilespmem:$0x1D400] =	vst v63  }
0x258: {  	_ =	swait.ge [sflag:s26], $0x3400  }
0x259: {  	[sflag:s26] =	ssyncset.done $0x0  }
0x25a: {  	s30 =	rddreg [dreg:$0x1b];
	[sflag:s26] =	ssyncadd.s32 $0xFFFFCC00  }
0x25b: {  	[hbm4b:s30+s2] =	stream.linear.scatter [tilespmem:s18], [sflag:$0x9], $0x3400, $0x38;
	[tilespmem:$0x1D400] =	vst v63  }
0x25c: {  	_ =	swait.ge [sflag:s16], $0x3400  }
0x25d: {  	s30 =	sld [smem:$0x7FD]  }
0x25e: {  	[sflag:s16] =	ssyncset.done $0x0  }
0x25f: {  	[sflag:s16] =	ssyncadd.s32 $0xFFFFCC00  }
0x260: {  	[tilespmem:s5], [sflag:$0x8] =	stream.indirect.gather [hbm4b:s3+s12], $0x20, s30, s12, $0xb8;
	[tilespmem:$0x1D400] =	vst v63  }
0x261: {  	_ =	swait.ge [sflag:s21], $0x3400  }
0x262: {  	[sflag:s21] =	ssyncset.done $0x0  }
0x263: {  	s30 =	rddreg [dreg:$0x1c];
	[sflag:s21] =	ssyncadd.s32 $0xFFFFCC00  }
0x264: {  	[hbm4b:s30+s2] =	stream.linear.scatter [tilespmem:s13], [sflag:$0xA], $0x3400, $0x38;
	[tilespmem:$0x1D400] =	vst v63  }
0x265: {  	_ =	swait.ge [sflag:s22], $0x3400  }
0x266: {  	[sflag:s22] =	ssyncset.done $0x0  }
0x267: {  	s30 =	rddreg [dreg:$0x1d];
	[sflag:s22] =	ssyncadd.s32 $0xFFFFCC00  }
0x268: {  	[hbm4b:s30+s2] =	stream.linear.scatter [tilespmem:s11], [sflag:$0xB], $0x3400, $0x38;
	[tilespmem:$0x1D400] =	vst v63  }
0x269: {  	_ =	swait.ge [sflag:s23], $0x3400  }
0x26a: {  	[sflag:s23] =	ssyncset.done $0x0  }
0x26b: {  	s30 =	rddreg [dreg:$0x1e];
	[sflag:s23] =	ssyncadd.s32 $0xFFFFCC00  }
0x26c: {  	[hbm4b:s30+s2] =	stream.linear.scatter [tilespmem:s9], [sflag:$0xC], $0x3400, $0x38;
	[tilespmem:$0x1D400] =	vst v63  }
0x26d: {  	_ =	swait.ge [sflag:s25], $0x3400  }
0x26e: {  	[sflag:s25] =	ssyncset.done $0x0  }
0x26f: {  	s30 =	rddreg [dreg:$0x1f];
	[sflag:s25] =	ssyncadd.s32 $0xFFFFCC00  }
0x270: {  	[hbm4b:s30+s2] =	stream.linear.scatter [tilespmem:s7], [sflag:$0xD], $0x3400, $0x38;
	[tilespmem:$0x1D400] =	vst v63  }
0x271: {  	_ =	swait.ge [sflag:s28], $0x3400  }
0x272: {  	s30 =	sld [smem:$0x7DD]  }
0x273: {  	[sflag:s28] =	ssyncset.done $0x0  }
0x274: {  	[sflag:s28] =	ssyncadd.s32 $0xFFFFCC00  }
0x275: {  	[hbm4b:s30+s2] =	stream.linear.scatter [tilespmem:s6], [sflag:$0xE], $0x3400, $0x38;
	[tilespmem:$0x1D400] =	vst v63  }
0x276: {  	_ =	swait.ge [sflag:s29], $0x3400  }
0x277: {  	s30 =	sld [smem:$0x7DE]  }
0x278: {  	[sflag:s29] =	ssyncset.done $0x0  }
0x279: {  	[sflag:s29] =	ssyncadd.s32 $0xFFFFCC00  }
0x27a: {  	[hbm4b:s30+s2] =	stream.linear.scatter [tilespmem:s4], [sflag:$0xF], $0x3400, $0x38;
	[tilespmem:$0x1D400] =	vst v63  }
0x27b: {  	_ =	swait.ge [sflag:s24], $0x3400  }
0x27c: {  	s30 =	sld [smem:$0x7DF]  }
0x27d: {  	[sflag:s24] =	ssyncset.done $0x0  }
0x27e: {  	[sflag:s24] =	ssyncadd.s32 $0xFFFFCC00  }
0x27f: {  	[hbm4b:s30+s2] =	stream.linear.scatter [tilespmem:s5], [sflag:$0x10], $0x3400, $0x38;
	[tilespmem:$0x1D400] =	vst v63  }
0x280: {  	_ =	swait.ge [sflag:s8], $0x3400  }
0x281: {  	[sflag:s8] =	ssyncset.done $0x0  }
0x282: {  	[sflag:s8] =	ssyncadd.s32 $0xFFFFCC00  }
0x283: {  	_ =	swait.ge [sflag:s10], $0x3400  }
0x284: {  	[sflag:s10] =	ssyncset.done $0x0  }
0x285: {  	[sflag:s10] =	ssyncadd.s32 $0xFFFFCC00  }
0x286: {  	_ =	swait.ge [sflag:s14], $0x3400  }
0x287: {  	[sflag:s14] =	ssyncset.done $0x0  }
0x288: {  	[sflag:s14] =	ssyncadd.s32 $0xFFFFCC00  }
0x289: {  	_ =	swait.ge [sflag:s15], $0x3400  }
0x28a: {  	[sflag:s15] =	ssyncset.done $0x0  }
0x28b: {  	[sflag:s15] =	ssyncadd.s32 $0xFFFFCC00  }
0x28c: {  	_ =	swait.ge [sflag:s20], $0x3400  }
0x28d: {  	[sflag:s20] =	ssyncset.done $0x0  }
0x28e: {  	[sflag:s20] =	ssyncadd.s32 $0xFFFFCC00  }
0x28f: {  	_ =	swait.ge [sflag:s19], $0x3400  }
0x290: {  	[sflag:s19] =	ssyncset.done $0x0  }
0x291: {  	p1 =	sne.s32 s1, $0x1;
	[sflag:s19] =	ssyncadd.s32 $0xFFFFCC00  }
.Ltmp2:
0x292: {  	_ =	swait.ge [sflag:s17], $0x3400;
	(pc) =	sbr.rel @p1 .LBB2_4-.Ltmp2, $4  }
0x293: {  	[sflag:s17] =	ssyncset.done $0x0  }
0x294: {  	[sflag:s17] =	ssyncadd.s32 $0xFFFFCC00  }
0x295: {  	_ =	swait.ge [sflag:s16], $0x3400  }
0x296: {  	s1 =	sadd.s32 $0xFFFFFFFF, s1;
	s0 =	rddreg [dreg:$0x3];
	[sflag:s16] =	ssyncset.done $0x0  }
0x297: {  	s30 =	sld [smem:$0x7DC]  }
.LBB2_6:
0x298: {  	[sflag:s16] =	ssyncadd.s32 @p0 $0xFFFFCC00  }
0x299: {  	[tilespmem:s2], [sflag:$0x11] =	stream.linear.gather [hbm4b:s0+s2], $0x3400, $0x38;
	[tilespmem:$0x1D400] =	vst v63  }
0x29a: {  	_ =	swait.ge [sflag:s31], $0x3400  }
0x29b: {  	[sflag:s31] =	ssyncset.done $0x0  }
0x29c: {  	[sflag:s31] =	ssyncadd.s32 $0xFFFFCC00  }
0x29d: {  	[tilespmem:s18], [sflag:$0x1] =	stream.indirect.gather [hbm4b:s3+s12], $0x20, s2, s12, $0xb8;
	[tilespmem:$0x1D400] =	vst v63  }
0x29e: {  	s31 =	sld [smem:$0x7E0]  }
0x29f: {  	[tilespmem:s13], [sflag:$0x2] =	stream.indirect.gather [hbm4b:s3+s12], $0x20, s12, s12, $0xb8;
	[tilespmem:$0x1D400] =	vst v63  }
0x2a0: {  	s1 =	sld [smem:$0x7E1]  }
0x2a1: {  	[tilespmem:s11], [sflag:$0x3] =	stream.indirect.gather [hbm4b:s3+s12], $0x20, s31, s12, $0xb8;
	[tilespmem:$0x1D400] =	vst v63  }
0x2a2: {  	s31 =	sld [smem:$0x7E2]  }
0x2a3: {  	[tilespmem:s9], [sflag:$0x4] =	stream.indirect.gather [hbm4b:s3+s12], $0x20, s1, s12, $0xb8;
	[tilespmem:$0x1D400] =	vst v63  }
0x2a4: {  	s1 =	sld [smem:$0x7E3]  }
0x2a5: {  	[tilespmem:s7], [sflag:$0x5] =	stream.indirect.gather [hbm4b:s3+s12], $0x20, s31, s12, $0xb8;
	[tilespmem:$0x1D400] =	vst v63  }
0x2a6: {  	s31 =	sld [smem:$0x7E4]  }
0x2a7: {  	[tilespmem:s6], [sflag:$0x6] =	stream.indirect.gather [hbm4b:s3+s12], $0x20, s1, s12, $0xb8;
	[tilespmem:$0x1D400] =	vst v63  }
0x2a8: {  	_ = 	snop  }
0x2a9: {  	[tilespmem:s4], [sflag:$0x7] =	stream.indirect.gather [hbm4b:s3+s12], $0x20, s31, s12, $0xb8;
	[tilespmem:$0x1D400] =	vst v63  }
0x2aa: {  	_ =	swait.ge [sflag:s26], $0x3400  }
0x2ab: {  	[sflag:s26] =	ssyncset.done $0x0  }
0x2ac: {  	s1 =	sld [smem:$0x7E5];
	[sflag:s26] =	ssyncadd.s32 $0xFFFFCC00  }
0x2ad: {  	[hbm4b:s30+s2] =	stream.linear.scatter [tilespmem:s18], [sflag:$0x9], $0x3400, $0x38;
	[tilespmem:$0x1D400] =	vst v63  }
0x2ae: {  	_ = 	snop  }
0x2af: {  	[tilespmem:s5], [sflag:$0x8] =	stream.indirect.gather [hbm4b:s3+s12], $0x20, s1, s12, $0xb8;
	[tilespmem:$0x1D400] =	vst v63  }
0x2b0: {  	_ =	swait.ge [sflag:s21], $0x3400  }
0x2b1: {  	[sflag:s21] =	ssyncset.done $0x0  }
0x2b2: {  	s30 =	rddreg [dreg:$0x4];
	[sflag:s21] =	ssyncadd.s32 $0xFFFFCC00  }
0x2b3: {  	[hbm4b:s30+s2] =	stream.linear.scatter [tilespmem:s13], [sflag:$0xA], $0x3400, $0x38;
	[tilespmem:$0x1D400] =	vst v63  }
0x2b4: {  	_ =	swait.ge [sflag:s8], $0x3400  }
0x2b5: {  	s31 =	sld [smem:$0x7E6]  }
0x2b6: {  	[sflag:s8] =	ssyncset.done $0x0  }
0x2b7: {  	[sflag:s8] =	ssyncadd.s32 $0xFFFFCC00  }
0x2b8: {  	[tilespmem:s18], [sflag:$0x1] =	stream.indirect.gather [hbm4b:s3+s12], $0x20, s31, s12, $0xb8;
	[tilespmem:$0x1D400] =	vst v63  }
0x2b9: {  	_ =	swait.ge [sflag:s22], $0x3400  }
0x2ba: {  	[sflag:s22] =	ssyncset.done $0x0  }
0x2bb: {  	s1 =	rddreg [dreg:$0x5];
	[sflag:s22] =	ssyncadd.s32 $0xFFFFCC00  }
0x2bc: {  	[hbm4b:s1+s2] =	stream.linear.scatter [tilespmem:s11], [sflag:$0xB], $0x3400, $0x38;
	[tilespmem:$0x1D400] =	vst v63  }
0x2bd: {  	_ =	swait.ge [sflag:s10], $0x3400  }
0x2be: {  	s30 =	sld [smem:$0x7E7]  }
0x2bf: {  	[sflag:s10] =	ssyncset.done $0x0  }
0x2c0: {  	[sflag:s10] =	ssyncadd.s32 $0xFFFFCC00  }
0x2c1: {  	[tilespmem:s13], [sflag:$0x2] =	stream.indirect.gather [hbm4b:s3+s12], $0x20, s30, s12, $0xb8;
	[tilespmem:$0x1D400] =	vst v63  }
0x2c2: {  	_ =	swait.ge [sflag:s23], $0x3400  }
0x2c3: {  	[sflag:s23] =	ssyncset.done $0x0  }
0x2c4: {  	s31 =	rddreg [dreg:$0x6];
	[sflag:s23] =	ssyncadd.s32 $0xFFFFCC00  }
0x2c5: {  	[hbm4b:s31+s2] =	stream.linear.scatter [tilespmem:s9], [sflag:$0xC], $0x3400, $0x38;
	[tilespmem:$0x1D400] =	vst v63  }
0x2c6: {  	_ =	swait.ge [sflag:s14], $0x3400  }
0x2c7: {  	s1 =	sld [smem:$0x7E8]  }
0x2c8: {  	[sflag:s14] =	ssyncset.done $0x0  }
0x2c9: {  	[sflag:s14] =	ssyncadd.s32 $0xFFFFCC00  }
0x2ca: {  	[tilespmem:s11], [sflag:$0x3] =	stream.indirect.gather [hbm4b:s3+s12], $0x20, s1, s12, $0xb8;
	[tilespmem:$0x1D400] =	vst v63  }
0x2cb: {  	_ =	swait.ge [sflag:s25], $0x3400  }
0x2cc: {  	[sflag:s25] =	ssyncset.done $0x0  }
0x2cd: {  	s30 =	rddreg [dreg:$0x7];
	[sflag:s25] =	ssyncadd.s32 $0xFFFFCC00  }
0x2ce: {  	[hbm4b:s30+s2] =	stream.linear.scatter [tilespmem:s7], [sflag:$0xD], $0x3400, $0x38;
	[tilespmem:$0x1D400] =	vst v63  }
0x2cf: {  	_ =	swait.ge [sflag:s15], $0x3400  }
0x2d0: {  	s31 =	sld [smem:$0x7E9]  }
0x2d1: {  	[sflag:s15] =	ssyncset.done $0x0  }
0x2d2: {  	[sflag:s15] =	ssyncadd.s32 $0xFFFFCC00  }
0x2d3: {  	[tilespmem:s9], [sflag:$0x4] =	stream.indirect.gather [hbm4b:s3+s12], $0x20, s31, s12, $0xb8;
	[tilespmem:$0x1D400] =	vst v63  }
0x2d4: {  	_ =	swait.ge [sflag:s28], $0x3400  }
0x2d5: {  	[sflag:s28] =	ssyncset.done $0x0  }
0x2d6: {  	s1 =	rddreg [dreg:$0x8];
	[sflag:s28] =	ssyncadd.s32 $0xFFFFCC00  }
0x2d7: {  	[hbm4b:s1+s2] =	stream.linear.scatter [tilespmem:s6], [sflag:$0xE], $0x3400, $0x38;
	[tilespmem:$0x1D400] =	vst v63  }
0x2d8: {  	_ =	swait.ge [sflag:s20], $0x3400  }
0x2d9: {  	s30 =	sld [smem:$0x7EA]  }
0x2da: {  	[sflag:s20] =	ssyncset.done $0x0  }
0x2db: {  	[sflag:s20] =	ssyncadd.s32 $0xFFFFCC00  }
0x2dc: {  	[tilespmem:s7], [sflag:$0x5] =	stream.indirect.gather [hbm4b:s3+s12], $0x20, s30, s12, $0xb8;
	[tilespmem:$0x1D400] =	vst v63  }
0x2dd: {  	_ =	swait.ge [sflag:s29], $0x3400  }
0x2de: {  	[sflag:s29] =	ssyncset.done $0x0  }
0x2df: {  	s31 =	rddreg [dreg:$0x9];
	[sflag:s29] =	ssyncadd.s32 $0xFFFFCC00  }
0x2e0: {  	[hbm4b:s31+s2] =	stream.linear.scatter [tilespmem:s4], [sflag:$0xF], $0x3400, $0x38;
	[tilespmem:$0x1D400] =	vst v63  }
0x2e1: {  	_ =	swait.ge [sflag:s19], $0x3400  }
0x2e2: {  	s1 =	sld [smem:$0x7EB]  }
0x2e3: {  	[sflag:s19] =	ssyncset.done $0x0  }
0x2e4: {  	[sflag:s19] =	ssyncadd.s32 $0xFFFFCC00  }
0x2e5: {  	[tilespmem:s6], [sflag:$0x6] =	stream.indirect.gather [hbm4b:s3+s12], $0x20, s1, s12, $0xb8;
	[tilespmem:$0x1D400] =	vst v63  }
0x2e6: {  	_ =	swait.ge [sflag:s24], $0x3400  }
0x2e7: {  	[sflag:s24] =	ssyncset.done $0x0  }
0x2e8: {  	s30 =	rddreg [dreg:$0xa];
	[sflag:s24] =	ssyncadd.s32 $0xFFFFCC00  }
0x2e9: {  	[hbm4b:s30+s2] =	stream.linear.scatter [tilespmem:s5], [sflag:$0x10], $0x3400, $0x38;
	[tilespmem:$0x1D400] =	vst v63  }
0x2ea: {  	_ =	swait.ge [sflag:s17], $0x3400  }
0x2eb: {  	s31 =	sld [smem:$0x7EC]  }
0x2ec: {  	[sflag:s17] =	ssyncset.done $0x0  }
0x2ed: {  	[sflag:s17] =	ssyncadd.s32 $0xFFFFCC00  }
0x2ee: {  	[tilespmem:s4], [sflag:$0x7] =	stream.indirect.gather [hbm4b:s3+s12], $0x20, s31, s12, $0xb8;
	[tilespmem:$0x1D400] =	vst v63  }
0x2ef: {  	_ =	swait.ge [sflag:s26], $0x3400  }
0x2f0: {  	[sflag:s26] =	ssyncset.done $0x0  }
0x2f1: {  	s1 =	rddreg [dreg:$0xb];
	[sflag:s26] =	ssyncadd.s32 $0xFFFFCC00  }
0x2f2: {  	[hbm4b:s1+s2] =	stream.linear.scatter [tilespmem:s18], [sflag:$0x9], $0x3400, $0x38;
	[tilespmem:$0x1D400] =	vst v63  }
0x2f3: {  	_ =	swait.ge [sflag:s16], $0x3400  }
0x2f4: {  	s30 =	sld [smem:$0x7ED]  }
0x2f5: {  	[sflag:s16] =	ssyncset.done $0x0  }
0x2f6: {  	[sflag:s16] =	ssyncadd.s32 $0xFFFFCC00  }
0x2f7: {  	[tilespmem:s5], [sflag:$0x8] =	stream.indirect.gather [hbm4b:s3+s12], $0x20, s30, s12, $0xb8;
	[tilespmem:$0x1D400] =	vst v63  }
0x2f8: {  	_ =	swait.ge [sflag:s21], $0x3400  }
0x2f9: {  	[sflag:s21] =	ssyncset.done $0x0  }
0x2fa: {  	s31 =	rddreg [dreg:$0xc];
	[sflag:s21] =	ssyncadd.s32 $0xFFFFCC00  }
0x2fb: {  	[hbm4b:s31+s2] =	stream.linear.scatter [tilespmem:s13], [sflag:$0xA], $0x3400, $0x38;
	[tilespmem:$0x1D400] =	vst v63  }
0x2fc: {  	_ =	swait.ge [sflag:s8], $0x3400  }
0x2fd: {  	s1 =	sld [smem:$0x7EE]  }
0x2fe: {  	[sflag:s8] =	ssyncset.done $0x0  }
0x2ff: {  	[sflag:s8] =	ssyncadd.s32 $0xFFFFCC00  }
0x300: {  	[tilespmem:s18], [sflag:$0x1] =	stream.indirect.gather [hbm4b:s3+s12], $0x20, s1, s12, $0xb8;
	[tilespmem:$0x1D400] =	vst v63  }
0x301: {  	_ =	swait.ge [sflag:s22], $0x3400  }
0x302: {  	[sflag:s22] =	ssyncset.done $0x0  }
0x303: {  	s30 =	rddreg [dreg:$0xd];
	[sflag:s22] =	ssyncadd.s32 $0xFFFFCC00  }
0x304: {  	[hbm4b:s30+s2] =	stream.linear.scatter [tilespmem:s11], [sflag:$0xB], $0x3400, $0x38;
	[tilespmem:$0x1D400] =	vst v63  }
0x305: {  	_ =	swait.ge [sflag:s10], $0x3400  }
0x306: {  	s31 =	sld [smem:$0x7EF]  }
0x307: {  	[sflag:s10] =	ssyncset.done $0x0  }
0x308: {  	[sflag:s10] =	ssyncadd.s32 $0xFFFFCC00  }
0x309: {  	[tilespmem:s13], [sflag:$0x2] =	stream.indirect.gather [hbm4b:s3+s12], $0x20, s31, s12, $0xb8;
	[tilespmem:$0x1D400] =	vst v63  }
0x30a: {  	_ =	swait.ge [sflag:s23], $0x3400  }
0x30b: {  	[sflag:s23] =	ssyncset.done $0x0  }
0x30c: {  	s1 =	rddreg [dreg:$0xe];
	[sflag:s23] =	ssyncadd.s32 $0xFFFFCC00  }
0x30d: {  	[hbm4b:s1+s2] =	stream.linear.scatter [tilespmem:s9], [sflag:$0xC], $0x3400, $0x38;
	[tilespmem:$0x1D400] =	vst v63  }
0x30e: {  	_ =	swait.ge [sflag:s14], $0x3400  }
0x30f: {  	s30 =	sld [smem:$0x7F0]  }
0x310: {  	[sflag:s14] =	ssyncset.done $0x0  }
0x311: {  	[sflag:s14] =	ssyncadd.s32 $0xFFFFCC00  }
0x312: {  	[tilespmem:s11], [sflag:$0x3] =	stream.indirect.gather [hbm4b:s3+s12], $0x20, s30, s12, $0xb8;
	[tilespmem:$0x1D400] =	vst v63  }
0x313: {  	_ =	swait.ge [sflag:s25], $0x3400  }
0x314: {  	[sflag:s25] =	ssyncset.done $0x0  }
0x315: {  	s31 =	rddreg [dreg:$0xf];
	[sflag:s25] =	ssyncadd.s32 $0xFFFFCC00  }
0x316: {  	[hbm4b:s31+s2] =	stream.linear.scatter [tilespmem:s7], [sflag:$0xD], $0x3400, $0x38;
	[tilespmem:$0x1D400] =	vst v63  }
0x317: {  	_ =	swait.ge [sflag:s15], $0x3400  }
0x318: {  	s1 =	sld [smem:$0x7F1]  }
0x319: {  	[sflag:s15] =	ssyncset.done $0x0  }
0x31a: {  	[sflag:s15] =	ssyncadd.s32 $0xFFFFCC00  }
0x31b: {  	[tilespmem:s9], [sflag:$0x4] =	stream.indirect.gather [hbm4b:s3+s12], $0x20, s1, s12, $0xb8;
	[tilespmem:$0x1D400] =	vst v63  }
0x31c: {  	_ =	swait.ge [sflag:s28], $0x3400  }
0x31d: {  	[sflag:s28] =	ssyncset.done $0x0  }
0x31e: {  	s30 =	rddreg [dreg:$0x10];
	[sflag:s28] =	ssyncadd.s32 $0xFFFFCC00  }
0x31f: {  	[hbm4b:s30+s2] =	stream.linear.scatter [tilespmem:s6], [sflag:$0xE], $0x3400, $0x38;
	[tilespmem:$0x1D400] =	vst v63  }
0x320: {  	_ =	swait.ge [sflag:s20], $0x3400  }
0x321: {  	s31 =	sld [smem:$0x7F2]  }
0x322: {  	[sflag:s20] =	ssyncset.done $0x0  }
0x323: {  	[sflag:s20] =	ssyncadd.s32 $0xFFFFCC00  }
0x324: {  	[tilespmem:s7], [sflag:$0x5] =	stream.indirect.gather [hbm4b:s3+s12], $0x20, s31, s12, $0xb8;
	[tilespmem:$0x1D400] =	vst v63  }
0x325: {  	_ =	swait.ge [sflag:s29], $0x3400  }
0x326: {  	[sflag:s29] =	ssyncset.done $0x0  }
0x327: {  	s1 =	rddreg [dreg:$0x11];
	[sflag:s29] =	ssyncadd.s32 $0xFFFFCC00  }
0x328: {  	[hbm4b:s1+s2] =	stream.linear.scatter [tilespmem:s4], [sflag:$0xF], $0x3400, $0x38;
	[tilespmem:$0x1D400] =	vst v63  }
0x329: {  	_ =	swait.ge [sflag:s19], $0x3400  }
0x32a: {  	s30 =	sld [smem:$0x7F3]  }
0x32b: {  	[sflag:s19] =	ssyncset.done $0x0  }
0x32c: {  	[sflag:s19] =	ssyncadd.s32 $0xFFFFCC00  }
0x32d: {  	[tilespmem:s6], [sflag:$0x6] =	stream.indirect.gather [hbm4b:s3+s12], $0x20, s30, s12, $0xb8;
	[tilespmem:$0x1D400] =	vst v63  }
0x32e: {  	_ =	swait.ge [sflag:s24], $0x3400  }
0x32f: {  	[sflag:s24] =	ssyncset.done $0x0  }
0x330: {  	s31 =	rddreg [dreg:$0x12];
	[sflag:s24] =	ssyncadd.s32 $0xFFFFCC00  }
0x331: {  	[hbm4b:s31+s2] =	stream.linear.scatter [tilespmem:s5], [sflag:$0x10], $0x3400, $0x38;
	[tilespmem:$0x1D400] =	vst v63  }
0x332: {  	_ =	swait.ge [sflag:s17], $0x3400  }
0x333: {  	s1 =	sld [smem:$0x7F4]  }
0x334: {  	[sflag:s17] =	ssyncset.done $0x0  }
0x335: {  	[sflag:s17] =	ssyncadd.s32 $0xFFFFCC00  }
0x336: {  	[tilespmem:s4], [sflag:$0x7] =	stream.indirect.gather [hbm4b:s3+s12], $0x20, s1, s12, $0xb8;
	[tilespmem:$0x1D400] =	vst v63  }
0x337: {  	_ =	swait.ge [sflag:s26], $0x3400  }
0x338: {  	[sflag:s26] =	ssyncset.done $0x0  }
0x339: {  	s30 =	rddreg [dreg:$0x13];
	[sflag:s26] =	ssyncadd.s32 $0xFFFFCC00  }
0x33a: {  	[hbm4b:s30+s2] =	stream.linear.scatter [tilespmem:s18], [sflag:$0x9], $0x3400, $0x38;
	[tilespmem:$0x1D400] =	vst v63  }
0x33b: {  	_ =	swait.ge [sflag:s16], $0x3400  }
0x33c: {  	s31 =	sld [smem:$0x7F5]  }
0x33d: {  	[sflag:s16] =	ssyncset.done $0x0  }
0x33e: {  	[sflag:s16] =	ssyncadd.s32 $0xFFFFCC00  }
0x33f: {  	[tilespmem:s5], [sflag:$0x8] =	stream.indirect.gather [hbm4b:s3+s12], $0x20, s31, s12, $0xb8;
	[tilespmem:$0x1D400] =	vst v63  }
0x340: {  	_ =	swait.ge [sflag:s21], $0x3400  }
0x341: {  	[sflag:s21] =	ssyncset.done $0x0  }
0x342: {  	s1 =	rddreg [dreg:$0x14];
	[sflag:s21] =	ssyncadd.s32 $0xFFFFCC00  }
0x343: {  	[hbm4b:s1+s2] =	stream.linear.scatter [tilespmem:s13], [sflag:$0xA], $0x3400, $0x38;
	[tilespmem:$0x1D400] =	vst v63  }
0x344: {  	_ =	swait.ge [sflag:s8], $0x3400  }
0x345: {  	s30 =	sld [smem:$0x7F6]  }
0x346: {  	[sflag:s8] =	ssyncset.done $0x0  }
0x347: {  	[sflag:s8] =	ssyncadd.s32 $0xFFFFCC00  }
0x348: {  	[tilespmem:s18], [sflag:$0x1] =	stream.indirect.gather [hbm4b:s3+s12], $0x20, s30, s12, $0xb8;
	[tilespmem:$0x1D400] =	vst v63  }
0x349: {  	_ =	swait.ge [sflag:s22], $0x3400  }
0x34a: {  	[sflag:s22] =	ssyncset.done $0x0  }
0x34b: {  	s31 =	rddreg [dreg:$0x15];
	[sflag:s22] =	ssyncadd.s32 $0xFFFFCC00  }
0x34c: {  	[hbm4b:s31+s2] =	stream.linear.scatter [tilespmem:s11], [sflag:$0xB], $0x3400, $0x38;
	[tilespmem:$0x1D400] =	vst v63  }
0x34d: {  	_ =	swait.ge [sflag:s10], $0x3400  }
0x34e: {  	s1 =	sld [smem:$0x7F7]  }
0x34f: {  	[sflag:s10] =	ssyncset.done $0x0  }
0x350: {  	[sflag:s10] =	ssyncadd.s32 $0xFFFFCC00  }
0x351: {  	[tilespmem:s13], [sflag:$0x2] =	stream.indirect.gather [hbm4b:s3+s12], $0x20, s1, s12, $0xb8;
	[tilespmem:$0x1D400] =	vst v63  }
0x352: {  	_ =	swait.ge [sflag:s23], $0x3400  }
0x353: {  	[sflag:s23] =	ssyncset.done $0x0  }
0x354: {  	s30 =	rddreg [dreg:$0x16];
	[sflag:s23] =	ssyncadd.s32 $0xFFFFCC00  }
0x355: {  	[hbm4b:s30+s2] =	stream.linear.scatter [tilespmem:s9], [sflag:$0xC], $0x3400, $0x38;
	[tilespmem:$0x1D400] =	vst v63  }
0x356: {  	_ =	swait.ge [sflag:s14], $0x3400  }
0x357: {  	s31 =	sld [smem:$0x7F8]  }
0x358: {  	[sflag:s14] =	ssyncset.done $0x0  }
0x359: {  	[sflag:s14] =	ssyncadd.s32 $0xFFFFCC00  }
0x35a: {  	[tilespmem:s11], [sflag:$0x3] =	stream.indirect.gather [hbm4b:s3+s12], $0x20, s31, s12, $0xb8;
	[tilespmem:$0x1D400] =	vst v63  }
0x35b: {  	_ =	swait.ge [sflag:s25], $0x3400  }
0x35c: {  	[sflag:s25] =	ssyncset.done $0x0  }
0x35d: {  	s1 =	rddreg [dreg:$0x17];
	[sflag:s25] =	ssyncadd.s32 $0xFFFFCC00  }
0x35e: {  	[hbm4b:s1+s2] =	stream.linear.scatter [tilespmem:s7], [sflag:$0xD], $0x3400, $0x38;
	[tilespmem:$0x1D400] =	vst v63  }
0x35f: {  	_ =	swait.ge [sflag:s15], $0x3400  }
0x360: {  	s30 =	sld [smem:$0x7F9]  }
0x361: {  	[sflag:s15] =	ssyncset.done $0x0  }
0x362: {  	[sflag:s15] =	ssyncadd.s32 $0xFFFFCC00  }
0x363: {  	[tilespmem:s9], [sflag:$0x4] =	stream.indirect.gather [hbm4b:s3+s12], $0x20, s30, s12, $0xb8;
	[tilespmem:$0x1D400] =	vst v63  }
0x364: {  	_ =	swait.ge [sflag:s28], $0x3400  }
0x365: {  	[sflag:s28] =	ssyncset.done $0x0  }
0x366: {  	s31 =	rddreg [dreg:$0x18];
	[sflag:s28] =	ssyncadd.s32 $0xFFFFCC00  }
0x367: {  	[hbm4b:s31+s2] =	stream.linear.scatter [tilespmem:s6], [sflag:$0xE], $0x3400, $0x38;
	[tilespmem:$0x1D400] =	vst v63  }
0x368: {  	_ =	swait.ge [sflag:s20], $0x3400  }
0x369: {  	s1 =	sld [smem:$0x7FA]  }
0x36a: {  	[sflag:s20] =	ssyncset.done $0x0  }
0x36b: {  	[sflag:s20] =	ssyncadd.s32 $0xFFFFCC00  }
0x36c: {  	[tilespmem:s7], [sflag:$0x5] =	stream.indirect.gather [hbm4b:s3+s12], $0x20, s1, s12, $0xb8;
	[tilespmem:$0x1D400] =	vst v63  }
0x36d: {  	_ =	swait.ge [sflag:s29], $0x3400  }
0x36e: {  	[sflag:s29] =	ssyncset.done $0x0  }
0x36f: {  	s30 =	rddreg [dreg:$0x19];
	[sflag:s29] =	ssyncadd.s32 $0xFFFFCC00  }
0x370: {  	[hbm4b:s30+s2] =	stream.linear.scatter [tilespmem:s4], [sflag:$0xF], $0x3400, $0x38;
	[tilespmem:$0x1D400] =	vst v63  }
0x371: {  	_ =	swait.ge [sflag:s19], $0x3400  }
0x372: {  	s31 =	sld [smem:$0x7FB]  }
0x373: {  	[sflag:s19] =	ssyncset.done $0x0  }
0x374: {  	[sflag:s19] =	ssyncadd.s32 $0xFFFFCC00  }
0x375: {  	[tilespmem:s6], [sflag:$0x6] =	stream.indirect.gather [hbm4b:s3+s12], $0x20, s31, s12, $0xb8;
	[tilespmem:$0x1D400] =	vst v63  }
0x376: {  	_ =	swait.ge [sflag:s24], $0x3400  }
0x377: {  	[sflag:s24] =	ssyncset.done $0x0  }
0x378: {  	s1 =	rddreg [dreg:$0x1a];
	[sflag:s24] =	ssyncadd.s32 $0xFFFFCC00  }
0x379: {  	[hbm4b:s1+s2] =	stream.linear.scatter [tilespmem:s5], [sflag:$0x10], $0x3400, $0x38;
	[tilespmem:$0x1D400] =	vst v63  }
0x37a: {  	_ =	swait.ge [sflag:s17], $0x3400  }
0x37b: {  	s30 =	sld [smem:$0x7FC]  }
0x37c: {  	[sflag:s17] =	ssyncset.done $0x0  }
0x37d: {  	[sflag:s17] =	ssyncadd.s32 $0xFFFFCC00  }
0x37e: {  	[tilespmem:s4], [sflag:$0x7] =	stream.indirect.gather [hbm4b:s3+s12], $0x20, s30, s12, $0xb8;
	[tilespmem:$0x1D400] =	vst v63  }
0x37f: {  	_ =	swait.ge [sflag:s26], $0x3400  }
0x380: {  	[sflag:s26] =	ssyncset.done $0x0  }
0x381: {  	s31 =	rddreg [dreg:$0x1b];
	[sflag:s26] =	ssyncadd.s32 $0xFFFFCC00  }
0x382: {  	[hbm4b:s31+s2] =	stream.linear.scatter [tilespmem:s18], [sflag:$0x9], $0x3400, $0x38;
	[tilespmem:$0x1D400] =	vst v63  }
0x383: {  	_ =	swait.ge [sflag:s16], $0x3400  }
0x384: {  	s1 =	sld [smem:$0x7FD]  }
0x385: {  	[sflag:s16] =	ssyncset.done $0x0  }
0x386: {  	[sflag:s16] =	ssyncadd.s32 $0xFFFFCC00  }
0x387: {  	[tilespmem:s5], [sflag:$0x8] =	stream.indirect.gather [hbm4b:s3+s12], $0x20, s1, s12, $0xb8;
	[tilespmem:$0x1D400] =	vst v63  }
0x388: {  	_ =	swait.ge [sflag:s21], $0x3400  }
0x389: {  	[sflag:s21] =	ssyncset.done $0x0  }
0x38a: {  	s18 =	rddreg [dreg:$0x1c];
	[sflag:s21] =	ssyncadd.s32 $0xFFFFCC00  }
0x38b: {  	[hbm4b:s18+s2] =	stream.linear.scatter [tilespmem:s13], [sflag:$0xA], $0x3400, $0x38;
	[tilespmem:$0x1D400] =	vst v63  }
0x38c: {  	_ =	swait.ge [sflag:s22], $0x3400  }
0x38d: {  	[sflag:s22] =	ssyncset.done $0x0  }
0x38e: {  	s21 =	rddreg [dreg:$0x1d];
	[sflag:s22] =	ssyncadd.s32 $0xFFFFCC00  }
0x38f: {  	[hbm4b:s21+s2] =	stream.linear.scatter [tilespmem:s11], [sflag:$0xB], $0x3400, $0x38;
	[tilespmem:$0x1D400] =	vst v63  }
0x390: {  	_ =	swait.ge [sflag:s23], $0x3400  }
0x391: {  	[sflag:s23] =	ssyncset.done $0x0  }
0x392: {  	s22 =	rddreg [dreg:$0x1e];
	[sflag:s23] =	ssyncadd.s32 $0xFFFFCC00  }
0x393: {  	[hbm4b:s22+s2] =	stream.linear.scatter [tilespmem:s9], [sflag:$0xC], $0x3400, $0x38;
	[tilespmem:$0x1D400] =	vst v63  }
0x394: {  	_ =	swait.ge [sflag:s25], $0x3400  }
0x395: {  	[sflag:s25] =	ssyncset.done $0x0  }
0x396: {  	s23 =	rddreg [dreg:$0x1f];
	[sflag:s25] =	ssyncadd.s32 $0xFFFFCC00  }
0x397: {  	[hbm4b:s23+s2] =	stream.linear.scatter [tilespmem:s7], [sflag:$0xD], $0x3400, $0x38;
	[tilespmem:$0x1D400] =	vst v63  }
0x398: {  	_ =	swait.ge [sflag:s28], $0x3400  }
0x399: {  	s26 =	sld [smem:$0x7DD]  }
0x39a: {  	[sflag:s28] =	ssyncset.done $0x0  }
0x39b: {  	[sflag:s28] =	ssyncadd.s32 $0xFFFFCC00  }
0x39c: {  	[hbm4b:s26+s2] =	stream.linear.scatter [tilespmem:s6], [sflag:$0xE], $0x3400, $0x38;
	[tilespmem:$0x1D400] =	vst v63  }
0x39d: {  	_ =	swait.ge [sflag:s29], $0x3400  }
0x39e: {  	s28 =	sld [smem:$0x7DE]  }
0x39f: {  	[sflag:s29] =	ssyncset.done $0x0  }
0x3a0: {  	[sflag:s29] =	ssyncadd.s32 $0xFFFFCC00  }
0x3a1: {  	[hbm4b:s28+s2] =	stream.linear.scatter [tilespmem:s4], [sflag:$0xF], $0x3400, $0x38;
	[tilespmem:$0x1D400] =	vst v63  }
0x3a2: {  	_ =	swait.ge [sflag:s24], $0x3400  }
0x3a3: {  	s30 =	sld [smem:$0x7DF]  }
0x3a4: {  	[sflag:s24] =	ssyncset.done $0x0  }
0x3a5: {  	[sflag:s24] =	ssyncadd.s32 $0xFFFFCC00  }
0x3a6: {  	[hbm4b:s30+s2] =	stream.linear.scatter [tilespmem:s5], [sflag:$0x10], $0x3400, $0x38;
	[tilespmem:$0x1D400] =	vst v63  }
0x3a7: {  	_ =	swait.ge [sflag:s8], $0x3400  }
0x3a8: {  	[sflag:s8] =	ssyncset.done $0x0  }
0x3a9: {  	[sflag:s8] =	ssyncadd.s32 $0xFFFFCC00  }
0x3aa: {  	_ =	swait.ge [sflag:s10], $0x3400  }
0x3ab: {  	[sflag:s10] =	ssyncset.done $0x0  }
0x3ac: {  	[sflag:s10] =	ssyncadd.s32 $0xFFFFCC00  }
0x3ad: {  	_ =	swait.ge [sflag:s14], $0x3400  }
0x3ae: {  	[sflag:s14] =	ssyncset.done $0x0  }
0x3af: {  	[sflag:s14] =	ssyncadd.s32 $0xFFFFCC00  }
0x3b0: {  	_ =	swait.ge [sflag:s15], $0x3400  }
0x3b1: {  	[sflag:s15] =	ssyncset.done $0x0  }
0x3b2: {  	[sflag:s15] =	ssyncadd.s32 $0xFFFFCC00  }
0x3b3: {  	_ =	swait.ge [sflag:s20], $0x3400  }
0x3b4: {  	[sflag:s20] =	ssyncset.done $0x0  }
0x3b5: {  	[sflag:s20] =	ssyncadd.s32 $0xFFFFCC00  }
0x3b6: {  	_ =	swait.ge [sflag:s19], $0x3400  }
0x3b7: {  	[sflag:s19] =	ssyncset.done $0x0  }
0x3b8: {  	[sflag:s19] =	ssyncadd.s32 $0xFFFFCC00  }
0x3b9: {  	_ =	swait.ge [sflag:s17], $0x3400  }
0x3ba: {  	[sflag:s17] =	ssyncset.done $0x0  }
0x3bb: {  	[sflag:s17] =	ssyncadd.s32 $0xFFFFCC00  }
0x3bc: {  	_ =	swait.ge [sflag:s16], $0x3400  }
0x3bd: {  	[sflag:s16] =	ssyncset.done $0x0  }
0x3be: {  	[sflag:s16] =	ssyncadd.s32 $0xFFFFCC00  }
0x3bf: {  	_ =	sfence.sel $0x180000  }
0x3c0: {  	[bflag:$0x0] =	sbarrier.arrive $0xFFFF  }
0x3c1: {  	_ =	strace $0x90000047  }
0x3c2: {  	s31 =	stileid.u32;
	[bflag:$0x2] =	sbarrier.arrive $0xFFFF  }
0x3c3: {  	p0 =	sne.s32 s31, $0x0;
	s0 =	rddreg [dreg:$0x2]  }
0x3c4: {  	s0 =	sadd.s32 @!p0 $0x100000, s0  }
0x3c5: {  	[sflag:s0] =	ssyncadd.tile.s32 @!p0 $0x1;
	_ =	shalt  }
.LBB2_1:
.Ltmp3:
0x3c6: {  	(pc) =	sbr.rel .LBB2_6-.Ltmp3, $2  }
0x3c7: {  	_ =	sdelay $0x2  }
0x3c8: {  	s30 =	sld [smem:$0x7DC]  }
.LBB2_3:
.Ltmp4:
0x3c9: {  	(pc) =	sbr.rel .LBB2_6-.Ltmp4, $2  }
0x3ca: {  	_ =	sdelay $0x2  }
0x3cb: {  	s30 =	sld [smem:$0x7DC]  }
.Lfunc_end2:
_tile_overlayer_lowered:
.L_overlay_start_2:
0x3cc: {  	(tag) =	ssettag $0x2  }
0x3cd: {  	s0 =	rddreg [dreg:$0x0];
	s2 =	stileid.u32  }
0x3ce: {  	s1 =	rddreg [dreg:$0x1];
	p0 =	sne.s32 s2, $0x0  }
0x3cf: {  	s3 =	rddreg [dreg:$0x2];
	[bflag:$0x3] =	sbarrier.arrive $0xFFFF;
	s2 =	simm.s32 @!p0 $0x1C11  }
0x3d0: {  	[timem:s3], [sflag:s2] =	dma.local @!p0 [hbm:s0], s1  }
0x3d1: {  	s0 =	simm.s32 @!p0 $0x11  }
0x3d2: {  	_ =	swait.ge @!p0 [sflag:s0], s1  }
0x3d3: {  	s1 =	ssub.s32 @!p0 $0x0, s1;
	[sflag:s0] =	ssyncset.done @!p0 $0x0  }
0x3d4: {  	[sflag:s0] =	ssyncadd.s32 @!p0 s1  }
0x3d5: {  	[bflag:$0x3] =	sbarrier.arrive $0xFFFF  }
0x3d6: {  	_ =	shalt  }

// kernel: sparse-core-data-format-call.cloned.1.call-start
scs
called_computation_lowered:
.L_overlay_start_0:
0x0: {  	s2 =	sld [smem:$0x3FD9]  }
0x1: {  	s3 =	sld [smem:$0x3FFE];
	_ =	sdelay $0x1  }
0x2: {  	s1 =	srdreg.scid  }
0x3: {  	s0 =	sand.u32 $0x1, s1  }
0x4: {  	s18 =	sshll.u32 s0, $0xA;
	s2 =	sadd.s32 s3, s2  }
0x5: {  	s2 =	sadd.s32 s2, s18  }
0x6: {  	[smem:$0x3FC6] =	sst s2  }
0x7: {  	_ = 	snop  }
0x8: {  	s2 =	sld [smem:$0x3FD0];
	(tm) =	ssettm $0x1  }
0x9: {  	s19 =	sld [smem:$0x3FFB];
	_ =	sdelay $0x3  }
0xa: {  	_ =	strace s19  }
0xb: {  	s3 =	sld [smem:$0x3FFC];
	_ =	sdelay $0x3  }
0xc: {  	_ =	strace s3  }
0xd: {  	s3 =	sld [smem:$0x3FFD];
	_ =	sdelay $0x3  }
0xe: {  	_ =	strace s3  }
0xf: {  	_ =	strace $0x8FFFFFFF  }
0x10: {  	s20 =	sld [smem:$0x3FDB];
	_ =	sdelay $0x1  }
0x11: {  	s4 =	simm.s32 $_scs_section_size  }
0x12: {  	s5 =	simm.s32 $_size__tile_overlayer_lowered;
	s6 =	simm.s32 $_tile_overlayer_lowered  }
0x13: {  	s23 =	simm.s32 $0x1BFF;
	s22 =	sshll.u32 s6, $0x1;
	s3 =	sadd.s32 s4, s20  }
0x14: {  	s7 =	simm.s32 $0x0;
	s21 =	sshll.u32 s5, $0x1;
	s5 =	sadd.s32 s22, s3  }
0x15: {  	[timem:s7], [sflag:s23] =	dma.local [hbm:s5], s21  }
0x16: {  	_ =	swait.ge [sflag:s23], s21  }
0x17: {  	s4 =	ssub.s32 $0x0, s21;
	[sflag:s23] =	ssyncset.done $0x0  }
0x18: {  	[sflag:s23] =	ssyncadd.s32 s4;
	_ =	sdelay $0x1  }
0x19: {  	s24 =	simm.s32 $0x1B8B  }
0x1a: {  	_ =	swait.ge [sflag:s24], $0x1  }
0x1b: {  	[sflag:s24] =	ssyncset.done $0x0  }
0x1c: {  	s26 =	simm.s32 $0x1B8E;
	s25 =	sld [smem:$0x3FFE];
	[sflag:s24] =	ssyncadd.s32 $0xFFFFFFFF  }
0x1d: {  	s27 =	simm.s32 $execute0_lowered;
	[smem:$0x3FD2] =	sst s26  }
0x1e: {  	s5 =	sshll.u32 s27, $0x1;
	_ =	strace $0x80000049;
	[dreg:$0x1] =	wrdreg $0xFFFFFFFF  }
0x1f: {  	s28 =	simm.s32 $_size_execute0_lowered;
	s3 =	sadd.s32 s3, s5;
	[dreg:$0x0] =	wrdreg $0x0  }
0x20: {  	s5 =	sshll.u32 s28, $0x1;
	[dreg:$0x2] =	wrdreg s3  }
0x21: {  	[dreg:$0x3] =	wrdreg s5  }
0x22: {  	[dreg:$0x4] =	wrdreg $0xC0  }
0x23: {  	_ =	task [dreg:s7], $0x5FFFF  }
0x24: {  	[dreg:$0x1] =	wrdreg $0xFFFFFFFF  }
0x25: {  	[dreg:$0x0] =	wrdreg $0x60  }
0x26: {  	[dreg:$0x2] =	wrdreg s25  }
0x27: {  	[dreg:$0x3] =	wrdreg s2  }
0x28: {  	[dreg:$0x4] =	wrdreg $0x9  }
0x29: {  	_ =	task.clear_ibuf [dreg:s7], $0x5FFFF;
	_ =	strace $0x90000049  }
0x2a: {  	s29 =	simm.s32 $0x9;
	_ =	strace $0x8000004B  }
0x2b: {  	_ =	swait.ge [sflag:s29], $0x1  }
0x2c: {  	[sflag:s29] =	ssyncadd.s32 $0xFFFFFFFF  }
0x2d: {  	_ =	strace $0x9000004B  }
0x2e: {  	_ =	sfence  }
0x2f: {  	s30 =	sld [smem:$0x0];
	_ =	sdelay $0x2  }
0x30: {  	s31 =	sshll.u32 s1, $0xD;
	s1 =	sshrl.u32 s1, $0x2  }
0x31: {  	s3 =	sand.u32 $0x4000, s31;
	s1 =	sadd.s32 s1, s30  }
0x32: {  	s0 =	sor.u32 s3, s0;
	s1 =	sshll.u32 s1, $0x11  }
0x33: {  	s0 =	sor.u32 s1, s0  }
0x34: {  	s0 =	sadd.s32 $0x8F2B, s0  }
0x35: {  	[sflag:s0] =	ssyncadd.remote.s32 $0x1  }
0x36: {  	_ =	sfence.sel $0xFFFF  }
0x37: {  	[dreg:$0x0] =	wrdreg $0xFFFFFFFF;
	(pc) =	sbr.abs _section_cstart, $3  }
0x38: {  	[dreg:$0x1] =	wrdreg $0xFFFFFFFF  }
0x39: {  	_ =	task.clear_ibuf [dreg:s7], $0x2FFFF;
	_ =	strace $0x9FFFFFFF  }
0x3a: {  	(tm) =	ssettm $0x7FFFFFFF  }
0x3b: {  	_ =	shalt  }
tec
execute0_lowered:
.L_overlay_start_1:
0x0: {  	(tag) =	ssettag $0x1  }
0x1: {  	s0 =	srdreg.scid  }
0x2: {  	s1 =	sshll.u32 s0, $0x4  }
0x3: {  	s0 =	stileid.u32;
	s1 =	sand.u32 $0x10, s1  }
0x4: {  	s1 =	sor.u32 s0, s1  }
0x5: {  	s6 =	rddreg [dreg:$0x0];
	s4 =	simm.s32 $0x1;
	s2 =	sshll.u32 s1, $0x7  }
0x6: {  	s7 =	simm.s32 $0x2;
	s12 =	simm.s32 $0x0;
	s1 =	ssub.s32 $0x4000, s2  }
0x7: {  	s8 =	simm.s32 $0x20000;
	s13 =	simm.s32 $0x0;
	s3 =	sand.u32 $0xF80, s1  }
0x8: {  	s9 =	simm.s32 $0x0;
	s5 =	sshrl.u32 s1, $0xC;
	p0 =	sne.s32 s3, $0x0  }
.Ltmp0:
0x9: {  	s1 =	rddreg [dreg:$0x2];
	s4 =	simm.s32 @!p0 $0x0;
	(pc) =	sbr.rel .LBB1_1-.Ltmp0, $4  }
0xa: {  	s11 =	simm.s32 $0x0;
	s3 =	rddreg [dreg:$0x1];
	s5 =	sadd.s32 s4, s5  }
0xb: {  	_ =	strace $0x8000004A;
	s4 =	simm.s32 $0x1;
	s5 =	smul.u32 $0x1A, s5  }
0xc: {  	s6 =	sadd.s32 $0xA00, s6;
	s10 =	smov.u32 s2;
	[sflag:s4] =	ssyncpa.u1 $0x0  }
0xd: {  	p0 =	por $0x0, $0x0;
	[sflag:s7] =	ssyncpa.u1 $0x0;
	s7 =	sor.u32 $0x1, s5  }
.LBB1_4:
0xe: {  	s16 =	sshll.u32 s13, $0x3;
	s17 =	sand.u32 $0x78, s13  }
0xf: {  	s30 =	sand.u32 $0xF800, s13;
	s12 =	sshll.u32 s12, $0x10;
	s16 =	sand.u32 $0x3C00, s16  }
0x10: {  	s31 =	sand.u32 $0x7, s13;
	s16 =	sor.u32 s17, s16;
	s17 =	sadd.s32 s3, s30  }
0x11: {  	s13 =	sshll.u32 s31, $0x12;
	s16 =	sshrl.u32 s16, $0x3;
	s12 =	sadd.s32 s12, s17  }
0x12: {  	[tilespmem:s15+$0x0 ss:$0x81] =	vst.msk $0xffff, v0;
	s13 =	sor.u32 $0x400, s13;
	s12 =	sadd.s32 s16, s12  }
0x13: {  	[hbm4b:s12+s13] =	stream.strided.scatter [tilespmem:s14], [sflag:$0x2], $0x1000, s8, s13, $0x20;
	[tilespmem:$0x4040] =	vst v63  }
.LBB1_5:
0x14: {  	s14 =	sadd.s32 $0x1, s9  }
0x15: {  	s12 =	sadd.s32 $0x1000, s10;
	s16 =	smov.u32 s10;
	p2 =	sgt.s32 s14, $0x19  }
0x16: {  	s16 =	smov.u32 @p2 s12  }
0x17: {  	s14 =	simm.s32 @p2 $0x0;
	p2 =	sgt.s32 s16, $0x3FFF  }
0x18: {  	s16 =	smov.u32 @p2 s2;
	p2 =	sne.s32 s11, s7  }
.Ltmp1:
0x19: {  	p1 =	slt.u32 s11, $0x2;
	(pc) =	sbr.rel @!p2 .LBB1_6-.Ltmp1, $4  }
0x1a: {  	s15 =	simm.s32 @!p1 $0x2  }
0x1b: {  	s13 =	smov.u32 s10;
	p0 =	por !p0, !p0;
	_ =	swait.ge @!p1 [sflag:s15], $0x1000  }
0x1c: {  	s12 =	smov.u32 s9;
	[sflag:s15] =	ssyncset.done @!p1 $0x0;
	s9 =	smov.u32 s14  }
0x1d: {  	s11 =	sadd.s32 $0x1, s11;
	[sflag:s15] =	ssyncadd.s32 @!p1 $0xFFFFF000;
	s10 =	smov.u32 s16  }
.LBB1_1:
0x1e: {  	p1 =	sge.u32 s11, s5  }
0x1f: {  	s31 =	sadd.s32 $0xFFFFFFFF, s11;
	s14 =	sxor.u32 @!p1 $0xFFFFFFFF, s11  }
0x20: {  	s15 =	sshll.u32 @!p1 s10, $0x9;
	s16 =	sshll.u32 @!p1 s9, $0x4;
	s17 =	simm.s32 @!p1 $0x1000  }
0x21: {  	s14 =	sshll.u32 @!p1 s14, $0xC;
	s16 =	sand.u32 @!p1 $0x1F0, s16;
	s15 =	sadd.s32 @!p1 s6, s15  }
0x22: {  	s14 =	sand.u32 @!p1 $0x1000, s14;
	s15 =	sadd.s32 @!p1 s16, s15;
	s16 =	simm.s32 @!p1 $0x20  }
0x23: {  	[tilespmem:s14], [sflag:$0x1] =	stream.strided.gather @!p1 [hbm4b:s15+s16], $0x1000, s17, s16, $0x38;
	[tilespmem:$0x4040] =	vst v63  }
0x24: {  	p1 =	sge.u32 s31, s5  }
.Ltmp2:
0x25: {  	_ = 	snop;
	(pc) =	sbr.rel @p1 .LBB1_5-.Ltmp2, $1  }
0x26: {  	_ =	sdelay $0x3  }
0x27: {  	s14 =	simm.s32 $0x1  }
0x28: {  	_ =	swait.ge [sflag:s4], $0x1000;
	s14 =	simm.s32 @!p0 $0x0  }
0x29: {  	[sflag:s4] =	ssyncset.done $0x0;
	s15 =	sshll.u32 s14, $0xC  }
0x2a: {  	[sflag:s4] =	ssyncadd.s32 $0xFFFFF000;
	s18 =	sor.u32 $0x10, s15  }
0x2b: {  	s14 =	smul.u32 $0x4080, s14;
	v1 =	vld [tilespmem:s18+$0x0]  }
0x2c: {  	s30 =	sand.u32 $0x1, s11;
	v0 =	vld [tilespmem:s18+$0xFFFFFFF0]  }
0x2d: {  	s15 =	smul.u32 $0x4080, s30;
	s14 =	sshrl.u32 s14, $0x2  }
0x2e: {  	s16 =	sor.u32 $0x2000, s14  }
0x2f: {  	s31 =	sshrl.u32 s15, $0x2;
	s15 =	sadd.s32 $0x0, s16  }
0x30: {  	s17 =	simm.s32 $0x4;
	s18 =	sadd.s32 $0x20, s18;
	s14 =	sor.u32 $0x2000, s31;
	[tilespmem:s15+$0x810 ss:$0x81] =	vst.msk $0xffff, v1  }
.LBB1_3:
0x31: {  	v1 =	vld [tilespmem:s18+$0x0];
	p1 =	sne.s32 s17, $0x1FC;
	[tilespmem:s15+$0x0 ss:$0x81] =	vst.msk $0xffff, v0;
	s15 =	smov.u32 s17;
	s17 =	sadd.s32 $0x4, s17  }
.Ltmp3:
0x32: {  	v0 =	vld [tilespmem:s18+$0xFFFFFFF0];
	(pc) =	sbr.rel @p1 .LBB1_3-.Ltmp3, $4  }
0x33: {  	_ = 	snop  }
0x34: {  	s15 =	sshra.s32 s15, $0x2  }
0x35: {  	s15 =	sadd.s32 s15, s16  }
0x36: {  	s18 =	sadd.s32 $0x20, s18;
	[tilespmem:s15+$0x810 ss:$0x81] =	vst.msk $0xffff, v1  }
.Ltmp4:
0x37: {  	_ = 	snop;
	(pc) =	sbr.rel .LBB1_4-.Ltmp4, $1  }
0x38: {  	_ =	sdelay $0x3  }
.LBB1_6:
0x39: {  	_ =	sfence.sel $0x180000  }
0x3a: {  	s2 =	simm.s32 $0x1;
	[bflag:$0x0] =	sbarrier.arrive $0xFFFF  }
0x3b: {  	s31 =	simm.s32 $0x2;
	[sflag:s2] =	ssyncpa.u1 $0x1  }
0x3c: {  	[sflag:s31] =	ssyncpa.u1 $0x1  }
0x3d: {  	p0 =	sne.s32 s0, $0x0;
	_ =	strace $0x9000004A  }
0x3e: {  	s0 =	sadd.s32 @!p0 $0x100000, s1;
	[bflag:$0x2] =	sbarrier.arrive $0xFFFF  }
0x3f: {  	[sflag:s0] =	ssyncadd.tile.s32 @!p0 $0x1;
	_ =	shalt  }
.Lfunc_end1:
_tile_overlayer_lowered:
.L_overlay_start_2:
0x40: {  	(tag) =	ssettag $0x2  }
0x41: {  	s0 =	rddreg [dreg:$0x0];
	s2 =	stileid.u32  }
0x42: {  	s1 =	rddreg [dreg:$0x1];
	p0 =	sne.s32 s2, $0x0  }
0x43: {  	s3 =	rddreg [dreg:$0x2];
	[bflag:$0x3] =	sbarrier.arrive $0xFFFF;
	s2 =	simm.s32 @!p0 $0x1C01  }
0x44: {  	[timem:s3], [sflag:s2] =	dma.local @!p0 [hbm:s0], s1  }
0x45: {  	s0 =	simm.s32 @!p0 $0x1  }
0x46: {  	_ =	swait.ge @!p0 [sflag:s0], s1  }
0x47: {  	s1 =	ssub.s32 @!p0 $0x0, s1;
	[sflag:s0] =	ssyncset.done @!p0 $0x0  }
0x48: {  	[sflag:s0] =	ssyncadd.s32 @!p0 s1  }
0x49: {  	[bflag:$0x3] =	sbarrier.arrive $0xFFFF  }
0x4a: {  	_ =	shalt  }

</sc_bundles>
